<compile_context>
chip_gen: v7x
topology: tpu7x:2x2x1
jax: 0.10.2.dev20260603
libtpu: 0.0.44.dev20260713+nightly
codegen_flags: <defaults>
</compile_context>

<pallas_src>
import functools

import jax
import jax.numpy as jnp
from jax import lax
from jax.experimental import pallas as pl
from jax.experimental.pallas import tpu as pltpu
from jax.experimental.pallas import tpu_sc as plsc

N, E, D, DE, H = 10000, 160000, 256, 16, 256
DH = D // 2
NS = 16
EPT = E // NS
K = 80
NCHUNK = EPT // K
SUB0, SUB1 = 48, 32
SPC = 25
NST = NCHUNK // SPC
NP = 10240
RPT = NP // NS


def _tc_ab_body(x_ref, we_ref, t_ref):
    x = x_ref[...]
    a = jnp.dot(x, we_ref[0:D, :], preferred_element_type=jnp.float32)
    b = jnp.dot(x, we_ref[D:2 * D, :], preferred_element_type=jnp.float32)
    t_ref[0] = a[:, :DH]
    t_ref[1] = a[:, DH:]
    t_ref[2] = b[:, :DH]
    t_ref[3] = b[:, DH:]


_tc_ab = pl.pallas_call(
    _tc_ab_body,
    grid=(5,),
    in_specs=[
        pl.BlockSpec((N // 5, D), lambda i: (i, 0)),
        pl.BlockSpec((2 * D + DE, D), lambda i: (0, 0)),
    ],
    out_specs=pl.BlockSpec((4, N // 5, DH), lambda i: (0, i, 0)),
    out_shape=jax.ShapeDtypeStruct((4, N, DH), jnp.float32),
)

_EB = 2000


def _tc_c_body(ea_ref, wa_ref, be_ref, c_ref):
    cc = jnp.dot(ea_ref[...], wa_ref[...], preferred_element_type=jnp.float32)
    cc = cc + be_ref[...]
    c_ref[0] = cc[:, :DH]
    c_ref[1] = cc[:, DH:]


_tc_c = pl.pallas_call(
    _tc_c_body,
    grid=(E // _EB,),
    in_specs=[
        pl.BlockSpec((_EB, DE), lambda i: (i, 0)),
        pl.BlockSpec((DE, D), lambda i: (0, 0)),
        pl.BlockSpec((1, D), lambda i: (0, 0)),
    ],
    out_specs=pl.BlockSpec((2, _EB, DH), lambda i: (0, i, 0)),
    out_shape=jax.ShapeDtypeStruct((2, E, DH), jnp.float32),
)


def _sc_body(t_hbm, c_hbm, ei_hbm, agg_hbm,
             sstage, dstage, isrc0, isrc1, idstt0, idstt1, idst0, idst1,
             ab0, ab1, bb0, bb1, cb0, cb1, agg_sh, semg, sems):
    c = lax.axis_index("c")
    s = lax.axis_index("s")

    def zrow0(i, carry):
        for j in range(DH // 16):
            ab0[i, pl.ds(16 * j, 16)] = jnp.zeros((16,), jnp.float32)
        return carry

    def zrow1(i, carry):
        for j in range(DH // 16):
            ab1[i, pl.ds(16 * j, 16)] = jnp.zeros((16,), jnp.float32)
        return carry

    lax.fori_loop(0, SUB0, zrow0, 0)
    lax.fori_loop(0, SUB1, zrow1, 0)
    for t in range(RPT // K):
        pltpu.sync_copy(ab0, agg_sh.at[pl.ds(s * RPT + t * K, SUB0)])
        pltpu.sync_copy(ab1, agg_sh.at[pl.ds(s * RPT + t * K + SUB0, SUB1)])
    plsc.subcore_barrier()

    off_a = c * N
    off_b = 2 * N + c * N

    def stage(st, carry0):
        sbase = s * EPT + st * (SPC * K)
        pltpu.sync_copy(ei_hbm.at[pl.ds(sbase, SPC * K)], sstage)
        pltpu.sync_copy(ei_hbm.at[pl.ds(E + sbase, SPC * K)], dstage)

        def chunk(kk, carry1):
            o = kk * K
            for j in range(K // 16):
                sj = pl.ds(16 * j, 16)
                sv = sstage[pl.ds(o + 16 * j, 16)] + off_a
                dv = dstage[pl.ds(o + 16 * j, 16)]
                if 16 * j < SUB0:
                    isrc0[sj] = sv
                    idst0[sj] = dv
                    idstt0[sj] = dv + off_b
                else:
                    sj1 = pl.ds(16 * j - SUB0, 16)
                    isrc1[sj1] = sv
                    idst1[sj1] = dv
                    idstt1[sj1] = dv + off_b
            base = sbase + o
            da0 = pltpu.async_copy(t_hbm.at[isrc0], ab0, semg)
            db0 = pltpu.async_copy(t_hbm.at[idstt0], bb0, semg)
            dc0 = pltpu.async_copy(c_hbm.at[pl.ds(c * E + base, SUB0)],
                                   cb0, semg)
            da1 = pltpu.async_copy(t_hbm.at[isrc1], ab1, semg)
            db1 = pltpu.async_copy(t_hbm.at[idstt1], bb1, semg)
            dc1 = pltpu.async_copy(c_hbm.at[pl.ds(c * E + base + SUB0, SUB1)],
                                   cb1, semg)

            def row0(i, carry):
                for j in range(DH // 16):
                    sj = pl.ds(16 * j, 16)
                    v = ab0[i, sj] + bb0[i, sj] + cb0[i, sj]
                    ab0[i, sj] = jnp.maximum(v, 0.0)
                return carry

            def row1(i, carry):
                for j in range(DH // 16):
                    sj = pl.ds(16 * j, 16)
                    v = ab1[i, sj] + bb1[i, sj] + cb1[i, sj]
                    ab1[i, sj] = jnp.maximum(v, 0.0)
                return carry

            da0.wait()
            db0.wait()
            dc0.wait()
            lax.fori_loop(0, SUB0, row0, 0)
            da1.wait()
            db1.wait()
            dc1.wait()
            ds0 = pltpu.async_copy(ab0, agg_sh.at[idst0], sems, add=True)
            lax.fori_loop(0, SUB1, row1, 0)
            ds0.wait()
            pltpu.sync_copy(ab1, agg_sh.at[idst1], add=True)
            return carry1

        lax.fori_loop(0, SPC, chunk, 0)
        return carry0

    lax.fori_loop(0, NST, stage, 0)
    plsc.subcore_barrier()

    pltpu.sync_copy(agg_sh.at[pl.ds(s * RPT, RPT)],
                    agg_hbm.at[pl.ds(c * NP + s * RPT, RPT)])


@functools.cache
def _make_sc_agg():
  return pl.kernel(
    _sc_body,
    out_type=jax.ShapeDtypeStruct((2 * NP, DH), jnp.float32),
    mesh=plsc.VectorSubcoreMesh(core_axis_name="c", subcore_axis_name="s"),
    scratch_types=[
        pltpu.VMEM((SPC * K,), jnp.int32),
        pltpu.VMEM((SPC * K,), jnp.int32),
        pltpu.VMEM((SUB0,), jnp.int32),
        pltpu.VMEM((SUB1,), jnp.int32),
        pltpu.VMEM((SUB0,), jnp.int32),
        pltpu.VMEM((SUB1,), jnp.int32),
        pltpu.VMEM((SUB0,), jnp.int32),
        pltpu.VMEM((SUB1,), jnp.int32),
        pltpu.VMEM((SUB0, DH), jnp.float32),
        pltpu.VMEM((SUB1, DH), jnp.float32),
        pltpu.VMEM((SUB0, DH), jnp.float32),
        pltpu.VMEM((SUB1, DH), jnp.float32),
        pltpu.VMEM((SUB0, DH), jnp.float32),
        pltpu.VMEM((SUB1, DH), jnp.float32),
        pltpu.VMEM_SHARED((NP, DH), jnp.float32),
        pltpu.SemaphoreType.DMA,
        pltpu.SemaphoreType.DMA,
    ],
  )


def _tc_fin_body(x_ref, agg_ref, wn_ref, bn_ref, w1_ref, b1_ref,
                 w2_ref, b2_ref, out_ref):
    h = jnp.dot(x_ref[...], wn_ref[0:D, :], preferred_element_type=jnp.float32)
    h = h + jnp.dot(agg_ref[0:N], wn_ref[D:D + DH, :],
                    preferred_element_type=jnp.float32)
    h = h + jnp.dot(agg_ref[NP:NP + N], wn_ref[D + DH:2 * D, :],
                    preferred_element_type=jnp.float32)
    h = jnp.maximum(h + bn_ref[...], 0.0)
    g = jnp.mean(h, axis=0, keepdims=True)
    z = jnp.maximum(jnp.dot(g, w1_ref[...], preferred_element_type=jnp.float32)
                    + b1_ref[...], 0.0)
    out_ref[...] = (jnp.dot(z, w2_ref[...], preferred_element_type=jnp.float32)
                    + b2_ref[...])


_tc_fin = pl.pallas_call(
    _tc_fin_body,
    out_shape=jax.ShapeDtypeStruct((1, 1), jnp.float32),
)


def kernel(x, edge_index, edge_attr, W_e, b_e, W_n, b_n, W1, b1, W2, b2):
    ei = edge_index.astype(jnp.int32).reshape(2 * E)
    t4 = _tc_ab(x, W_e)
    c2 = _tc_c(edge_attr, W_e[2 * D:], b_e.reshape(1, D))
    agg = _make_sc_agg()(t4.reshape(4 * N, DH), c2.reshape(2 * E, DH), ei)
    v = _tc_fin(x, agg, W_n, b_n.reshape(1, D), W1, b1.reshape(1, H),
                W2, b2.reshape(1, 1))
    return v.reshape(1)

# --- scband reference (transcript-rebuilt; emitter-appended) ---
"""Pipeline reference for scband-value-critic-40733469835328 (READ-ONLY COPY).

The authoritative reference and input builder live on the scoring server;
editing this copy changes nothing except your own understanding.
"""

import jax, jax.numpy as jnp
import numpy as np

N, E, D, DE, H = 10000, 160000, 256, 16, 256

def setup_inputs(seed: int = 0) -> dict:
    key = jax.random.key(seed)
    ks = jax.random.split(key, 8)
    x = jax.random.normal(ks[0], (N, D), dtype=jnp.float32)
    edge_index = jax.random.randint(ks[1], (2, E), 0, N)
    edge_attr = jax.random.normal(ks[2], (E, DE), dtype=jnp.float32)
    def xavier(k, shp):
        bound = np.sqrt(6.0 / (shp[0] + shp[1]))
        return jax.random.uniform(k, shp, dtype=jnp.float32, minval=-bound, maxval=bound)
    W_e = xavier(ks[3], (2 * D + DE, D)); b_e = jnp.zeros((D,), dtype=jnp.float32)
    W_n = xavier(ks[4], (2 * D, D)); b_n = jnp.zeros((D,), dtype=jnp.float32)
    W1 = xavier(ks[5], (D, H)); b1 = jnp.zeros((H,), dtype=jnp.float32)
    W2 = xavier(ks[6], (H, 1)); b2 = jnp.zeros((1,), dtype=jnp.float32)
    return {"x": x, "edge_index": edge_index, "edge_attr": edge_attr,
            "W_e": W_e, "b_e": b_e, "W_n": W_n, "b_n": b_n,
            "W1": W1, "b1": b1, "W2": W2, "b2": b2}

def reference(x, edge_index, edge_attr, W_e, b_e, W_n, b_n, W1, b1, W2, b2):
    # IGNN message-passing block: edge update -> scatter-add node aggregation -> node update
    src = edge_index[0]
    dst = edge_index[1]
    m_in = jnp.concatenate([jnp.take(x, src, axis=0), jnp.take(x, dst, axis=0), edge_attr], axis=1)
    e = jax.nn.relu(m_in @ W_e + b_e)
    agg = jax.ops.segment_sum(e, dst, num_segments=x.shape[0])
    h = jax.nn.relu(jnp.concatenate([x, agg], axis=1) @ W_n + b_n)
    # global readout (global_attr) via mean pooling over nodes
    global_attr = jnp.mean(h, axis=0)
    # final_global_mlp (MLPwoLastAct): Linear -> ReLU -> Linear (no last activation)
    value = jax.nn.relu(global_attr @ W1 + b1) @ W2 + b2
    return value

if __name__ == "__main__":
    import jax
    _d = setup_inputs()
    print(jax.jit(kernel)(*tuple(_d.values())))

</pallas_src>

<mosaic_0001>
#map = affine_map<(d0, d1) -> (0, 0)>
#map1 = affine_map<(d0, d1) -> (0)>
module attributes {stable_mosaic.version = 14 : i64} {
  func.func @_sc_body(%arg0: i32, %arg1: i32, %arg2: memref<40000x128xf32, #tpu.memory_space<hbm>>, %arg3: memref<320000x128xf32, #tpu.memory_space<hbm>>, %arg4: memref<320000xi32, #tpu.memory_space<hbm>>, %arg5: memref<20480x128xf32, #tpu.memory_space<hbm>>, %arg6: memref<2000xi32, #tpu.memory_space<vmem>>, %arg7: memref<2000xi32, #tpu.memory_space<vmem>>, %arg8: memref<48xi32, #tpu.memory_space<vmem>>, %arg9: memref<32xi32, #tpu.memory_space<vmem>>, %arg10: memref<48xi32, #tpu.memory_space<vmem>>, %arg11: memref<32xi32, #tpu.memory_space<vmem>>, %arg12: memref<48xi32, #tpu.memory_space<vmem>>, %arg13: memref<32xi32, #tpu.memory_space<vmem>>, %arg14: memref<48x128xf32, #tpu.memory_space<vmem>>, %arg15: memref<32x128xf32, #tpu.memory_space<vmem>>, %arg16: memref<48x128xf32, #tpu.memory_space<vmem>>, %arg17: memref<32x128xf32, #tpu.memory_space<vmem>>, %arg18: memref<48x128xf32, #tpu.memory_space<vmem>>, %arg19: memref<32x128xf32, #tpu.memory_space<vmem>>, %arg20: memref<10240x128xf32, #tpu.memory_space<vmem_shared>>, %arg21: memref<!tpu.dma_semaphore, #tpu.memory_space<semaphore_mem>>, %arg22: memref<!tpu.dma_semaphore, #tpu.memory_space<semaphore_mem>>) attributes {dimension_semantics = [#tpu.dimension_semantics<core_parallel>, #tpu.dimension_semantics<subcore_parallel>], iteration_bounds = array<i64: 2, 16>, scalar_prefetch = 0 : i64, scratch_operands = 17 : i64, tpu.core_type = #tpu.core_type<sc_vector_subcore>, window_params = [{transform_indices = #map}, {transform_indices = #map}, {transform_indices = #map1}, {transform_indices = #map}]} {
    %scan3A = arith.constant 0 : i32
    %scan3A_0 = arith.constant 0 : i32
    %scan3A_1 = arith.constant 48 : i32
    %scan3A_2 = arith.addi %scan3A_0, %scan3A_1 : i32
    %scan3A_3 = arith.constant 1 : i32
    scf.for %scan3A_109 = %scan3A_0 to %scan3A_2 step %scan3A_3  : i32 {
      %broadcast_in_dim3A = arith.constant 0.000000e+00 : f32
      %broadcast_in_dim3A_110 = vector.broadcast %broadcast_in_dim3A : f32 to vector<16xf32>
      %swap3A = arith.index_cast %scan3A_109 : i32 to index
      %swap3A_111 = arith.constant 0 : index
      %swap3A_112 = tpu.vector_load %arg14[%swap3A, %swap3A_111] {strides = array<i32>} : memref<48x128xf32, #tpu.memory_space<vmem>>, vector<1x16xf32>,
      %swap3A_113 = vector.shape_cast %swap3A_112 : vector<1x16xf32> to vector<16xf32>
      %swap3A_114 = vector.shape_cast %broadcast_in_dim3A_110 : vector<16xf32> to vector<1x16xf32>
      tpu.vector_store %arg14[%swap3A, %swap3A_111], %swap3A_114 {strides = array<i32>} : memref<48x128xf32, #tpu.memory_space<vmem>>, vector<1x16xf32>,
      %broadcast_in_dim3A_115 = arith.constant 0.000000e+00 : f32
      %broadcast_in_dim3A_116 = vector.broadcast %broadcast_in_dim3A_115 : f32 to vector<16xf32>
      %swap3A_117 = arith.index_cast %scan3A_109 : i32 to index
      %swap3A_118 = arith.constant 16 : index
      %swap3A_119 = tpu.vector_load %arg14[%swap3A_117, %swap3A_118] {strides = array<i32>} : memref<48x128xf32, #tpu.memory_space<vmem>>, vector<1x16xf32>,
      %swap3A_120 = vector.shape_cast %swap3A_119 : vector<1x16xf32> to vector<16xf32>
      %swap3A_121 = vector.shape_cast %broadcast_in_dim3A_116 : vector<16xf32> to vector<1x16xf32>
      tpu.vector_store %arg14[%swap3A_117, %swap3A_118], %swap3A_121 {strides = array<i32>} : memref<48x128xf32, #tpu.memory_space<vmem>>, vector<1x16xf32>,
      %broadcast_in_dim3A_122 = arith.constant 0.000000e+00 : f32
      %broadcast_in_dim3A_123 = vector.broadcast %broadcast_in_dim3A_122 : f32 to vector<16xf32>
      %swap3A_124 = arith.index_cast %scan3A_109 : i32 to index
      %swap3A_125 = arith.constant 32 : index
      %swap3A_126 = tpu.vector_load %arg14[%swap3A_124, %swap3A_125] {strides = array<i32>} : memref<48x128xf32, #tpu.memory_space<vmem>>, vector<1x16xf32>,
      %swap3A_127 = vector.shape_cast %swap3A_126 : vector<1x16xf32> to vector<16xf32>
      %swap3A_128 = vector.shape_cast %broadcast_in_dim3A_123 : vector<16xf32> to vector<1x16xf32>
      tpu.vector_store %arg14[%swap3A_124, %swap3A_125], %swap3A_128 {strides = array<i32>} : memref<48x128xf32, #tpu.memory_space<vmem>>, vector<1x16xf32>,
      %broadcast_in_dim3A_129 = arith.constant 0.000000e+00 : f32
      %broadcast_in_dim3A_130 = vector.broadcast %broadcast_in_dim3A_129 : f32 to vector<16xf32>
      %swap3A_131 = arith.index_cast %scan3A_109 : i32 to index
      %swap3A_132 = arith.constant 48 : index
      %swap3A_133 = tpu.vector_load %arg14[%swap3A_131, %swap3A_132] {strides = array<i32>} : memref<48x128xf32, #tpu.memory_space<vmem>>, vector<1x16xf32>,
      %swap3A_134 = vector.shape_cast %swap3A_133 : vector<1x16xf32> to vector<16xf32>
      %swap3A_135 = vector.shape_cast %broadcast_in_dim3A_130 : vector<16xf32> to vector<1x16xf32>
      tpu.vector_store %arg14[%swap3A_131, %swap3A_132], %swap3A_135 {strides = array<i32>} : memref<48x128xf32, #tpu.memory_space<vmem>>, vector<1x16xf32>,
      %broadcast_in_dim3A_136 = arith.constant 0.000000e+00 : f32
      %broadcast_in_dim3A_137 = vector.broadcast %broadcast_in_dim3A_136 : f32 to vector<16xf32>
      %swap3A_138 = arith.index_cast %scan3A_109 : i32 to index
      %swap3A_139 = arith.constant 64 : index
      %swap3A_140 = tpu.vector_load %arg14[%swap3A_138, %swap3A_139] {strides = array<i32>} : memref<48x128xf32, #tpu.memory_space<vmem>>, vector<1x16xf32>,
      %swap3A_141 = vector.shape_cast %swap3A_140 : vector<1x16xf32> to vector<16xf32>
      %swap3A_142 = vector.shape_cast %broadcast_in_dim3A_137 : vector<16xf32> to vector<1x16xf32>
      tpu.vector_store %arg14[%swap3A_138, %swap3A_139], %swap3A_142 {strides = array<i32>} : memref<48x128xf32, #tpu.memory_space<vmem>>, vector<1x16xf32>,
      %broadcast_in_dim3A_143 = arith.constant 0.000000e+00 : f32
      %broadcast_in_dim3A_144 = vector.broadcast %broadcast_in_dim3A_143 : f32 to vector<16xf32>
      %swap3A_145 = arith.index_cast %scan3A_109 : i32 to index
      %swap3A_146 = arith.constant 80 : index
      %swap3A_147 = tpu.vector_load %arg14[%swap3A_145, %swap3A_146] {strides = array<i32>} : memref<48x128xf32, #tpu.memory_space<vmem>>, vector<1x16xf32>,
      %swap3A_148 = vector.shape_cast %swap3A_147 : vector<1x16xf32> to vector<16xf32>
      %swap3A_149 = vector.shape_cast %broadcast_in_dim3A_144 : vector<16xf32> to vector<1x16xf32>
      tpu.vector_store %arg14[%swap3A_145, %swap3A_146], %swap3A_149 {strides = array<i32>} : memref<48x128xf32, #tpu.memory_space<vmem>>, vector<1x16xf32>,
      %broadcast_in_dim3A_150 = arith.constant 0.000000e+00 : f32
      %broadcast_in_dim3A_151 = vector.broadcast %broadcast_in_dim3A_150 : f32 to vector<16xf32>
      %swap3A_152 = arith.index_cast %scan3A_109 : i32 to index
      %swap3A_153 = arith.constant 96 : index
      %swap3A_154 = tpu.vector_load %arg14[%swap3A_152, %swap3A_153] {strides = array<i32>} : memref<48x128xf32, #tpu.memory_space<vmem>>, vector<1x16xf32>,
      %swap3A_155 = vector.shape_cast %swap3A_154 : vector<1x16xf32> to vector<16xf32>
      %swap3A_156 = vector.shape_cast %broadcast_in_dim3A_151 : vector<16xf32> to vector<1x16xf32>
      tpu.vector_store %arg14[%swap3A_152, %swap3A_153], %swap3A_156 {strides = array<i32>} : memref<48x128xf32, #tpu.memory_space<vmem>>, vector<1x16xf32>,
      %broadcast_in_dim3A_157 = arith.constant 0.000000e+00 : f32
      %broadcast_in_dim3A_158 = vector.broadcast %broadcast_in_dim3A_157 : f32 to vector<16xf32>
      %swap3A_159 = arith.index_cast %scan3A_109 : i32 to index
      %swap3A_160 = arith.constant 112 : index
      %swap3A_161 = tpu.vector_load %arg14[%swap3A_159, %swap3A_160] {strides = array<i32>} : memref<48x128xf32, #tpu.memory_space<vmem>>, vector<1x16xf32>,
      %swap3A_162 = vector.shape_cast %swap3A_161 : vector<1x16xf32> to vector<16xf32>
      %swap3A_163 = vector.shape_cast %broadcast_in_dim3A_158 : vector<16xf32> to vector<1x16xf32>
      tpu.vector_store %arg14[%swap3A_159, %swap3A_160], %swap3A_163 {strides = array<i32>} : memref<48x128xf32, #tpu.memory_space<vmem>>, vector<1x16xf32>,
    }
    %scan3A_4 = arith.constant 48 : i32
    %scan3A_5 = arith.constant 0 : i32
    %scan3A_6 = arith.constant 0 : i32
    %scan3A_7 = arith.constant 32 : i32
    %scan3A_8 = arith.addi %scan3A_6, %scan3A_7 : i32
    %scan3A_9 = arith.constant 1 : i32
    scf.for %scan3A_109 = %scan3A_6 to %scan3A_8 step %scan3A_9  : i32 {
      %broadcast_in_dim3A = arith.constant 0.000000e+00 : f32
      %broadcast_in_dim3A_110 = vector.broadcast %broadcast_in_dim3A : f32 to vector<16xf32>
      %swap3A = arith.index_cast %scan3A_109 : i32 to index
      %swap3A_111 = arith.constant 0 : index
      %swap3A_112 = tpu.vector_load %arg15[%swap3A, %swap3A_111] {strides = array<i32>} : memref<32x128xf32, #tpu.memory_space<vmem>>, vector<1x16xf32>,
      %swap3A_113 = vector.shape_cast %swap3A_112 : vector<1x16xf32> to vector<16xf32>
      %swap3A_114 = vector.shape_cast %broadcast_in_dim3A_110 : vector<16xf32> to vector<1x16xf32>
      tpu.vector_store %arg15[%swap3A, %swap3A_111], %swap3A_114 {strides = array<i32>} : memref<32x128xf32, #tpu.memory_space<vmem>>, vector<1x16xf32>,
      %broadcast_in_dim3A_115 = arith.constant 0.000000e+00 : f32
      %broadcast_in_dim3A_116 = vector.broadcast %broadcast_in_dim3A_115 : f32 to vector<16xf32>
      %swap3A_117 = arith.index_cast %scan3A_109 : i32 to index
      %swap3A_118 = arith.constant 16 : index
      %swap3A_119 = tpu.vector_load %arg15[%swap3A_117, %swap3A_118] {strides = array<i32>} : memref<32x128xf32, #tpu.memory_space<vmem>>, vector<1x16xf32>,
      %swap3A_120 = vector.shape_cast %swap3A_119 : vector<1x16xf32> to vector<16xf32>
      %swap3A_121 = vector.shape_cast %broadcast_in_dim3A_116 : vector<16xf32> to vector<1x16xf32>
      tpu.vector_store %arg15[%swap3A_117, %swap3A_118], %swap3A_121 {strides = array<i32>} : memref<32x128xf32, #tpu.memory_space<vmem>>, vector<1x16xf32>,
      %broadcast_in_dim3A_122 = arith.constant 0.000000e+00 : f32
      %broadcast_in_dim3A_123 = vector.broadcast %broadcast_in_dim3A_122 : f32 to vector<16xf32>
      %swap3A_124 = arith.index_cast %scan3A_109 : i32 to index
      %swap3A_125 = arith.constant 32 : index
      %swap3A_126 = tpu.vector_load %arg15[%swap3A_124, %swap3A_125] {strides = array<i32>} : memref<32x128xf32, #tpu.memory_space<vmem>>, vector<1x16xf32>,
      %swap3A_127 = vector.shape_cast %swap3A_126 : vector<1x16xf32> to vector<16xf32>
      %swap3A_128 = vector.shape_cast %broadcast_in_dim3A_123 : vector<16xf32> to vector<1x16xf32>
      tpu.vector_store %arg15[%swap3A_124, %swap3A_125], %swap3A_128 {strides = array<i32>} : memref<32x128xf32, #tpu.memory_space<vmem>>, vector<1x16xf32>,
      %broadcast_in_dim3A_129 = arith.constant 0.000000e+00 : f32
      %broadcast_in_dim3A_130 = vector.broadcast %broadcast_in_dim3A_129 : f32 to vector<16xf32>
      %swap3A_131 = arith.index_cast %scan3A_109 : i32 to index
      %swap3A_132 = arith.constant 48 : index
      %swap3A_133 = tpu.vector_load %arg15[%swap3A_131, %swap3A_132] {strides = array<i32>} : memref<32x128xf32, #tpu.memory_space<vmem>>, vector<1x16xf32>,
      %swap3A_134 = vector.shape_cast %swap3A_133 : vector<1x16xf32> to vector<16xf32>
      %swap3A_135 = vector.shape_cast %broadcast_in_dim3A_130 : vector<16xf32> to vector<1x16xf32>
      tpu.vector_store %arg15[%swap3A_131, %swap3A_132], %swap3A_135 {strides = array<i32>} : memref<32x128xf32, #tpu.memory_space<vmem>>, vector<1x16xf32>,
      %broadcast_in_dim3A_136 = arith.constant 0.000000e+00 : f32
      %broadcast_in_dim3A_137 = vector.broadcast %broadcast_in_dim3A_136 : f32 to vector<16xf32>
      %swap3A_138 = arith.index_cast %scan3A_109 : i32 to index
      %swap3A_139 = arith.constant 64 : index
      %swap3A_140 = tpu.vector_load %arg15[%swap3A_138, %swap3A_139] {strides = array<i32>} : memref<32x128xf32, #tpu.memory_space<vmem>>, vector<1x16xf32>,
      %swap3A_141 = vector.shape_cast %swap3A_140 : vector<1x16xf32> to vector<16xf32>
      %swap3A_142 = vector.shape_cast %broadcast_in_dim3A_137 : vector<16xf32> to vector<1x16xf32>
      tpu.vector_store %arg15[%swap3A_138, %swap3A_139], %swap3A_142 {strides = array<i32>} : memref<32x128xf32, #tpu.memory_space<vmem>>, vector<1x16xf32>,
      %broadcast_in_dim3A_143 = arith.constant 0.000000e+00 : f32
      %broadcast_in_dim3A_144 = vector.broadcast %broadcast_in_dim3A_143 : f32 to vector<16xf32>
      %swap3A_145 = arith.index_cast %scan3A_109 : i32 to index
      %swap3A_146 = arith.constant 80 : index
      %swap3A_147 = tpu.vector_load %arg15[%swap3A_145, %swap3A_146] {strides = array<i32>} : memref<32x128xf32, #tpu.memory_space<vmem>>, vector<1x16xf32>,
      %swap3A_148 = vector.shape_cast %swap3A_147 : vector<1x16xf32> to vector<16xf32>
      %swap3A_149 = vector.shape_cast %broadcast_in_dim3A_144 : vector<16xf32> to vector<1x16xf32>
      tpu.vector_store %arg15[%swap3A_145, %swap3A_146], %swap3A_149 {strides = array<i32>} : memref<32x128xf32, #tpu.memory_space<vmem>>, vector<1x16xf32>,
      %broadcast_in_dim3A_150 = arith.constant 0.000000e+00 : f32
      %broadcast_in_dim3A_151 = vector.broadcast %broadcast_in_dim3A_150 : f32 to vector<16xf32>
      %swap3A_152 = arith.index_cast %scan3A_109 : i32 to index
      %swap3A_153 = arith.constant 96 : index
      %swap3A_154 = tpu.vector_load %arg15[%swap3A_152, %swap3A_153] {strides = array<i32>} : memref<32x128xf32, #tpu.memory_space<vmem>>, vector<1x16xf32>,
      %swap3A_155 = vector.shape_cast %swap3A_154 : vector<1x16xf32> to vector<16xf32>
      %swap3A_156 = vector.shape_cast %broadcast_in_dim3A_151 : vector<16xf32> to vector<1x16xf32>
      tpu.vector_store %arg15[%swap3A_152, %swap3A_153], %swap3A_156 {strides = array<i32>} : memref<32x128xf32, #tpu.memory_space<vmem>>, vector<1x16xf32>,
      %broadcast_in_dim3A_157 = arith.constant 0.000000e+00 : f32
      %broadcast_in_dim3A_158 = vector.broadcast %broadcast_in_dim3A_157 : f32 to vector<16xf32>
      %swap3A_159 = arith.index_cast %scan3A_109 : i32 to index
      %swap3A_160 = arith.constant 112 : index
      %swap3A_161 = tpu.vector_load %arg15[%swap3A_159, %swap3A_160] {strides = array<i32>} : memref<32x128xf32, #tpu.memory_space<vmem>>, vector<1x16xf32>,
      %swap3A_162 = vector.shape_cast %swap3A_161 : vector<1x16xf32> to vector<16xf32>
      %swap3A_163 = vector.shape_cast %broadcast_in_dim3A_158 : vector<16xf32> to vector<1x16xf32>
      tpu.vector_store %arg15[%swap3A_159, %swap3A_160], %swap3A_163 {strides = array<i32>} : memref<32x128xf32, #tpu.memory_space<vmem>>, vector<1x16xf32>,
    }
    %scan3A_10 = arith.constant 32 : i32
    %mul3A = arith.constant 640 : i32
    %mul3A_11 = arith.muli %arg1, %mul3A : i32
    %add3A = arith.constant 0 : i32
    %add3A_12 = arith.addi %mul3A_11, %add3A : i32
    "tpu.region"() ({
      %run_scoped3A = tpu.sem_alloc : memref<!tpu.dma_semaphore, #tpu.memory_space<semaphore_mem>>
      %dma_start3A = arith.constant 0 : i32
      %dma_start3A_109 = tpu.memref_slice %arg20[%add3A_12, %dma_start3A] : memref<10240x128xf32, #tpu.memory_space<vmem_shared>> -> memref<48x128xf32, #tpu.memory_space<vmem_shared>>
      %dma_start3A_110 = arith.constant 0 : i32
      %dma_start3A_111 = tpu.memref_slice %arg20[%add3A_12, %dma_start3A_110] : memref<10240x128xf32, #tpu.memory_space<vmem_shared>> -> memref<48x128xf32, #tpu.memory_space<vmem_shared>>
      tpu.enqueue_dma source(%arg14 : memref<48x128xf32, #tpu.memory_space<vmem>>) target(%dma_start3A_111 : memref<48x128xf32, #tpu.memory_space<vmem_shared>>) target_semaphore(%run_scoped3A : memref<!tpu.dma_semaphore, #tpu.memory_space<semaphore_mem>>)
      %dma_wait3A = arith.constant 0 : i32
      %dma_wait3A_112 = tpu.memref_slice %arg20[%add3A_12, %dma_wait3A] : memref<10240x128xf32, #tpu.memory_space<vmem_shared>> -> memref<48x128xf32, #tpu.memory_space<vmem_shared>>
      %dma_wait3A_113 = arith.constant 0 : i32
      %dma_wait3A_114 = tpu.memref_slice %arg20[%add3A_12, %dma_wait3A_113] : memref<10240x128xf32, #tpu.memory_space<vmem_shared>> -> memref<48x128xf32, #tpu.memory_space<vmem_shared>>
      tpu.wait_dma2 semaphore(%run_scoped3A : memref<!tpu.dma_semaphore, #tpu.memory_space<semaphore_mem>>) src(%arg14 : memref<48x128xf32, #tpu.memory_space<vmem>>) dst(%dma_wait3A_114 : memref<48x128xf32, #tpu.memory_space<vmem_shared>>)
      tpu.yield
    }) : () -> ()
    %mul3A_13 = arith.constant 640 : i32
    %mul3A_14 = arith.muli %arg1, %mul3A_13 : i32
    %add3A_15 = arith.constant 0 : i32
    %add3A_16 = arith.addi %mul3A_14, %add3A_15 : i32
    %add3A_17 = arith.constant 48 : i32
    %add3A_18 = arith.addi %add3A_16, %add3A_17 : i32
    "tpu.region"() ({
      %run_scoped3A = tpu.sem_alloc : memref<!tpu.dma_semaphore, #tpu.memory_space<semaphore_mem>>
      %dma_start3A = arith.constant 0 : i32
      %dma_start3A_109 = tpu.memref_slice %arg20[%add3A_18, %dma_start3A] : memref<10240x128xf32, #tpu.memory_space<vmem_shared>> -> memref<32x128xf32, #tpu.memory_space<vmem_shared>>
      %dma_start3A_110 = arith.constant 0 : i32
      %dma_start3A_111 = tpu.memref_slice %arg20[%add3A_18, %dma_start3A_110] : memref<10240x128xf32, #tpu.memory_space<vmem_shared>> -> memref<32x128xf32, #tpu.memory_space<vmem_shared>>
      tpu.enqueue_dma source(%arg15 : memref<32x128xf32, #tpu.memory_space<vmem>>) target(%dma_start3A_111 : memref<32x128xf32, #tpu.memory_space<vmem_shared>>) target_semaphore(%run_scoped3A : memref<!tpu.dma_semaphore, #tpu.memory_space<semaphore_mem>>)
      %dma_wait3A = arith.constant 0 : i32
      %dma_wait3A_112 = tpu.memref_slice %arg20[%add3A_18, %dma_wait3A] : memref<10240x128xf32, #tpu.memory_space<vmem_shared>> -> memref<32x128xf32, #tpu.memory_space<vmem_shared>>
      %dma_wait3A_113 = arith.constant 0 : i32
      %dma_wait3A_114 = tpu.memref_slice %arg20[%add3A_18, %dma_wait3A_113] : memref<10240x128xf32, #tpu.memory_space<vmem_shared>> -> memref<32x128xf32, #tpu.memory_space<vmem_shared>>
      tpu.wait_dma2 semaphore(%run_scoped3A : memref<!tpu.dma_semaphore, #tpu.memory_space<semaphore_mem>>) src(%arg15 : memref<32x128xf32, #tpu.memory_space<vmem>>) dst(%dma_wait3A_114 : memref<32x128xf32, #tpu.memory_space<vmem_shared>>)
      tpu.yield
    }) : () -> ()
    %mul3A_19 = arith.constant 640 : i32
    %mul3A_20 = arith.muli %arg1, %mul3A_19 : i32
    %add3A_21 = arith.constant 80 : i32
    %add3A_22 = arith.addi %mul3A_20, %add3A_21 : i32
    "tpu.region"() ({
      %run_scoped3A = tpu.sem_alloc : memref<!tpu.dma_semaphore, #tpu.memory_space<semaphore_mem>>
      %dma_start3A = arith.constant 0 : i32
      %dma_start3A_109 = tpu.memref_slice %arg20[%add3A_22, %dma_start3A] : memref<10240x128xf32, #tpu.memory_space<vmem_shared>> -> memref<48x128xf32, #tpu.memory_space<vmem_shared>>
      %dma_start3A_110 = arith.constant 0 : i32
      %dma_start3A_111 = tpu.memref_slice %arg20[%add3A_22, %dma_start3A_110] : memref<10240x128xf32, #tpu.memory_space<vmem_shared>> -> memref<48x128xf32, #tpu.memory_space<vmem_shared>>
      tpu.enqueue_dma source(%arg14 : memref<48x128xf32, #tpu.memory_space<vmem>>) target(%dma_start3A_111 : memref<48x128xf32, #tpu.memory_space<vmem_shared>>) target_semaphore(%run_scoped3A : memref<!tpu.dma_semaphore, #tpu.memory_space<semaphore_mem>>)
      %dma_wait3A = arith.constant 0 : i32
      %dma_wait3A_112 = tpu.memref_slice %arg20[%add3A_22, %dma_wait3A] : memref<10240x128xf32, #tpu.memory_space<vmem_shared>> -> memref<48x128xf32, #tpu.memory_space<vmem_shared>>
      %dma_wait3A_113 = arith.constant 0 : i32
      %dma_wait3A_114 = tpu.memref_slice %arg20[%add3A_22, %dma_wait3A_113] : memref<10240x128xf32, #tpu.memory_space<vmem_shared>> -> memref<48x128xf32, #tpu.memory_space<vmem_shared>>
      tpu.wait_dma2 semaphore(%run_scoped3A : memref<!tpu.dma_semaphore, #tpu.memory_space<semaphore_mem>>) src(%arg14 : memref<48x128xf32, #tpu.memory_space<vmem>>) dst(%dma_wait3A_114 : memref<48x128xf32, #tpu.memory_space<vmem_shared>>)
      tpu.yield
    }) : () -> ()
    %mul3A_23 = arith.constant 640 : i32
    %mul3A_24 = arith.muli %arg1, %mul3A_23 : i32
    %add3A_25 = arith.constant 80 : i32
    %add3A_26 = arith.addi %mul3A_24, %add3A_25 : i32
    %add3A_27 = arith.constant 48 : i32
    %add3A_28 = arith.addi %add3A_26, %add3A_27 : i32
    "tpu.region"() ({
      %run_scoped3A = tpu.sem_alloc : memref<!tpu.dma_semaphore, #tpu.memory_space<semaphore_mem>>
      %dma_start3A = arith.constant 0 : i32
      %dma_start3A_109 = tpu.memref_slice %arg20[%add3A_28, %dma_start3A] : memref<10240x128xf32, #tpu.memory_space<vmem_shared>> -> memref<32x128xf32, #tpu.memory_space<vmem_shared>>
      %dma_start3A_110 = arith.constant 0 : i32
      %dma_start3A_111 = tpu.memref_slice %arg20[%add3A_28, %dma_start3A_110] : memref<10240x128xf32, #tpu.memory_space<vmem_shared>> -> memref<32x128xf32, #tpu.memory_space<vmem_shared>>
      tpu.enqueue_dma source(%arg15 : memref<32x128xf32, #tpu.memory_space<vmem>>) target(%dma_start3A_111 : memref<32x128xf32, #tpu.memory_space<vmem_shared>>) target_semaphore(%run_scoped3A : memref<!tpu.dma_semaphore, #tpu.memory_space<semaphore_mem>>)
      %dma_wait3A = arith.constant 0 : i32
      %dma_wait3A_112 = tpu.memref_slice %arg20[%add3A_28, %dma_wait3A] : memref<10240x128xf32, #tpu.memory_space<vmem_shared>> -> memref<32x128xf32, #tpu.memory_space<vmem_shared>>
      %dma_wait3A_113 = arith.constant 0 : i32
      %dma_wait3A_114 = tpu.memref_slice %arg20[%add3A_28, %dma_wait3A_113] : memref<10240x128xf32, #tpu.memory_space<vmem_shared>> -> memref<32x128xf32, #tpu.memory_space<vmem_shared>>
      tpu.wait_dma2 semaphore(%run_scoped3A : memref<!tpu.dma_semaphore, #tpu.memory_space<semaphore_mem>>) src(%arg15 : memref<32x128xf32, #tpu.memory_space<vmem>>) dst(%dma_wait3A_114 : memref<32x128xf32, #tpu.memory_space<vmem_shared>>)
      tpu.yield
    }) : () -> ()
    %mul3A_29 = arith.constant 640 : i32
    %mul3A_30 = arith.muli %arg1, %mul3A_29 : i32
    %add3A_31 = arith.constant 160 : i32
    %add3A_32 = arith.addi %mul3A_30, %add3A_31 : i32
    "tpu.region"() ({
      %run_scoped3A = tpu.sem_alloc : memref<!tpu.dma_semaphore, #tpu.memory_space<semaphore_mem>>
      %dma_start3A = arith.constant 0 : i32
      %dma_start3A_109 = tpu.memref_slice %arg20[%add3A_32, %dma_start3A] : memref<10240x128xf32, #tpu.memory_space<vmem_shared>> -> memref<48x128xf32, #tpu.memory_space<vmem_shared>>
      %dma_start3A_110 = arith.constant 0 : i32
      %dma_start3A_111 = tpu.memref_slice %arg20[%add3A_32, %dma_start3A_110] : memref<10240x128xf32, #tpu.memory_space<vmem_shared>> -> memref<48x128xf32, #tpu.memory_space<vmem_shared>>
      tpu.enqueue_dma source(%arg14 : memref<48x128xf32, #tpu.memory_space<vmem>>) target(%dma_start3A_111 : memref<48x128xf32, #tpu.memory_space<vmem_shared>>) target_semaphore(%run_scoped3A : memref<!tpu.dma_semaphore, #tpu.memory_space<semaphore_mem>>)
      %dma_wait3A = arith.constant 0 : i32
      %dma_wait3A_112 = tpu.memref_slice %arg20[%add3A_32, %dma_wait3A] : memref<10240x128xf32, #tpu.memory_space<vmem_shared>> -> memref<48x128xf32, #tpu.memory_space<vmem_shared>>
      %dma_wait3A_113 = arith.constant 0 : i32
      %dma_wait3A_114 = tpu.memref_slice %arg20[%add3A_32, %dma_wait3A_113] : memref<10240x128xf32, #tpu.memory_space<vmem_shared>> -> memref<48x128xf32, #tpu.memory_space<vmem_shared>>
      tpu.wait_dma2 semaphore(%run_scoped3A : memref<!tpu.dma_semaphore, #tpu.memory_space<semaphore_mem>>) src(%arg14 : memref<48x128xf32, #tpu.memory_space<vmem>>) dst(%dma_wait3A_114 : memref<48x128xf32, #tpu.memory_space<vmem_shared>>)
      tpu.yield
    }) : () -> ()
    %mul3A_33 = arith.constant 640 : i32
    %mul3A_34 = arith.muli %arg1, %mul3A_33 : i32
    %add3A_35 = arith.constant 160 : i32
    %add3A_36 = arith.addi %mul3A_34, %add3A_35 : i32
    %add3A_37 = arith.constant 48 : i32
    %add3A_38 = arith.addi %add3A_36, %add3A_37 : i32
    "tpu.region"() ({
      %run_scoped3A = tpu.sem_alloc : memref<!tpu.dma_semaphore, #tpu.memory_space<semaphore_mem>>
      %dma_start3A = arith.constant 0 : i32
      %dma_start3A_109 = tpu.memref_slice %arg20[%add3A_38, %dma_start3A] : memref<10240x128xf32, #tpu.memory_space<vmem_shared>> -> memref<32x128xf32, #tpu.memory_space<vmem_shared>>
      %dma_start3A_110 = arith.constant 0 : i32
      %dma_start3A_111 = tpu.memref_slice %arg20[%add3A_38, %dma_start3A_110] : memref<10240x128xf32, #tpu.memory_space<vmem_shared>> -> memref<32x128xf32, #tpu.memory_space<vmem_shared>>
      tpu.enqueue_dma source(%arg15 : memref<32x128xf32, #tpu.memory_space<vmem>>) target(%dma_start3A_111 : memref<32x128xf32, #tpu.memory_space<vmem_shared>>) target_semaphore(%run_scoped3A : memref<!tpu.dma_semaphore, #tpu.memory_space<semaphore_mem>>)
      %dma_wait3A = arith.constant 0 : i32
      %dma_wait3A_112 = tpu.memref_slice %arg20[%add3A_38, %dma_wait3A] : memref<10240x128xf32, #tpu.memory_space<vmem_shared>> -> memref<32x128xf32, #tpu.memory_space<vmem_shared>>
      %dma_wait3A_113 = arith.constant 0 : i32
      %dma_wait3A_114 = tpu.memref_slice %arg20[%add3A_38, %dma_wait3A_113] : memref<10240x128xf32, #tpu.memory_space<vmem_shared>> -> memref<32x128xf32, #tpu.memory_space<vmem_shared>>
      tpu.wait_dma2 semaphore(%run_scoped3A : memref<!tpu.dma_semaphore, #tpu.memory_space<semaphore_mem>>) src(%arg15 : memref<32x128xf32, #tpu.memory_space<vmem>>) dst(%dma_wait3A_114 : memref<32x128xf32, #tpu.memory_space<vmem_shared>>)
      tpu.yield
    }) : () -> ()
    %mul3A_39 = arith.constant 640 : i32
    %mul3A_40 = arith.muli %arg1, %mul3A_39 : i32
    %add3A_41 = arith.constant 240 : i32
    %add3A_42 = arith.addi %mul3A_40, %add3A_41 : i32
    "tpu.region"() ({
      %run_scoped3A = tpu.sem_alloc : memref<!tpu.dma_semaphore, #tpu.memory_space<semaphore_mem>>
      %dma_start3A = arith.constant 0 : i32
      %dma_start3A_109 = tpu.memref_slice %arg20[%add3A_42, %dma_start3A] : memref<10240x128xf32, #tpu.memory_space<vmem_shared>> -> memref<48x128xf32, #tpu.memory_space<vmem_shared>>
      %dma_start3A_110 = arith.constant 0 : i32
      %dma_start3A_111 = tpu.memref_slice %arg20[%add3A_42, %dma_start3A_110] : memref<10240x128xf32, #tpu.memory_space<vmem_shared>> -> memref<48x128xf32, #tpu.memory_space<vmem_shared>>
      tpu.enqueue_dma source(%arg14 : memref<48x128xf32, #tpu.memory_space<vmem>>) target(%dma_start3A_111 : memref<48x128xf32, #tpu.memory_space<vmem_shared>>) target_semaphore(%run_scoped3A : memref<!tpu.dma_semaphore, #tpu.memory_space<semaphore_mem>>)
      %dma_wait3A = arith.constant 0 : i32
      %dma_wait3A_112 = tpu.memref_slice %arg20[%add3A_42, %dma_wait3A] : memref<10240x128xf32, #tpu.memory_space<vmem_shared>> -> memref<48x128xf32, #tpu.memory_space<vmem_shared>>
      %dma_wait3A_113 = arith.constant 0 : i32
      %dma_wait3A_114 = tpu.memref_slice %arg20[%add3A_42, %dma_wait3A_113] : memref<10240x128xf32, #tpu.memory_space<vmem_shared>> -> memref<48x128xf32, #tpu.memory_space<vmem_shared>>
      tpu.wait_dma2 semaphore(%run_scoped3A : memref<!tpu.dma_semaphore, #tpu.memory_space<semaphore_mem>>) src(%arg14 : memref<48x128xf32, #tpu.memory_space<vmem>>) dst(%dma_wait3A_114 : memref<48x128xf32, #tpu.memory_space<vmem_shared>>)
      tpu.yield
    }) : () -> ()
    %mul3A_43 = arith.constant 640 : i32
    %mul3A_44 = arith.muli %arg1, %mul3A_43 : i32
    %add3A_45 = arith.constant 240 : i32
    %add3A_46 = arith.addi %mul3A_44, %add3A_45 : i32
    %add3A_47 = arith.constant 48 : i32
    %add3A_48 = arith.addi %add3A_46, %add3A_47 : i32
    "tpu.region"() ({
      %run_scoped3A = tpu.sem_alloc : memref<!tpu.dma_semaphore, #tpu.memory_space<semaphore_mem>>
      %dma_start3A = arith.constant 0 : i32
      %dma_start3A_109 = tpu.memref_slice %arg20[%add3A_48, %dma_start3A] : memref<10240x128xf32, #tpu.memory_space<vmem_shared>> -> memref<32x128xf32, #tpu.memory_space<vmem_shared>>
      %dma_start3A_110 = arith.constant 0 : i32
      %dma_start3A_111 = tpu.memref_slice %arg20[%add3A_48, %dma_start3A_110] : memref<10240x128xf32, #tpu.memory_space<vmem_shared>> -> memref<32x128xf32, #tpu.memory_space<vmem_shared>>
      tpu.enqueue_dma source(%arg15 : memref<32x128xf32, #tpu.memory_space<vmem>>) target(%dma_start3A_111 : memref<32x128xf32, #tpu.memory_space<vmem_shared>>) target_semaphore(%run_scoped3A : memref<!tpu.dma_semaphore, #tpu.memory_space<semaphore_mem>>)
      %dma_wait3A = arith.constant 0 : i32
      %dma_wait3A_112 = tpu.memref_slice %arg20[%add3A_48, %dma_wait3A] : memref<10240x128xf32, #tpu.memory_space<vmem_shared>> -> memref<32x128xf32, #tpu.memory_space<vmem_shared>>
      %dma_wait3A_113 = arith.constant 0 : i32
      %dma_wait3A_114 = tpu.memref_slice %arg20[%add3A_48, %dma_wait3A_113] : memref<10240x128xf32, #tpu.memory_space<vmem_shared>> -> memref<32x128xf32, #tpu.memory_space<vmem_shared>>
      tpu.wait_dma2 semaphore(%run_scoped3A : memref<!tpu.dma_semaphore, #tpu.memory_space<semaphore_mem>>) src(%arg15 : memref<32x128xf32, #tpu.memory_space<vmem>>) dst(%dma_wait3A_114 : memref<32x128xf32, #tpu.memory_space<vmem_shared>>)
      tpu.yield
    }) : () -> ()
    %mul3A_49 = arith.constant 640 : i32
    %mul3A_50 = arith.muli %arg1, %mul3A_49 : i32
    %add3A_51 = arith.constant 320 : i32
    %add3A_52 = arith.addi %mul3A_50, %add3A_51 : i32
    "tpu.region"() ({
      %run_scoped3A = tpu.sem_alloc : memref<!tpu.dma_semaphore, #tpu.memory_space<semaphore_mem>>
      %dma_start3A = arith.constant 0 : i32
      %dma_start3A_109 = tpu.memref_slice %arg20[%add3A_52, %dma_start3A] : memref<10240x128xf32, #tpu.memory_space<vmem_shared>> -> memref<48x128xf32, #tpu.memory_space<vmem_shared>>
      %dma_start3A_110 = arith.constant 0 : i32
      %dma_start3A_111 = tpu.memref_slice %arg20[%add3A_52, %dma_start3A_110] : memref<10240x128xf32, #tpu.memory_space<vmem_shared>> -> memref<48x128xf32, #tpu.memory_space<vmem_shared>>
      tpu.enqueue_dma source(%arg14 : memref<48x128xf32, #tpu.memory_space<vmem>>) target(%dma_start3A_111 : memref<48x128xf32, #tpu.memory_space<vmem_shared>>) target_semaphore(%run_scoped3A : memref<!tpu.dma_semaphore, #tpu.memory_space<semaphore_mem>>)
      %dma_wait3A = arith.constant 0 : i32
      %dma_wait3A_112 = tpu.memref_slice %arg20[%add3A_52, %dma_wait3A] : memref<10240x128xf32, #tpu.memory_space<vmem_shared>> -> memref<48x128xf32, #tpu.memory_space<vmem_shared>>
      %dma_wait3A_113 = arith.constant 0 : i32
      %dma_wait3A_114 = tpu.memref_slice %arg20[%add3A_52, %dma_wait3A_113] : memref<10240x128xf32, #tpu.memory_space<vmem_shared>> -> memref<48x128xf32, #tpu.memory_space<vmem_shared>>
      tpu.wait_dma2 semaphore(%run_scoped3A : memref<!tpu.dma_semaphore, #tpu.memory_space<semaphore_mem>>) src(%arg14 : memref<48x128xf32, #tpu.memory_space<vmem>>) dst(%dma_wait3A_114 : memref<48x128xf32, #tpu.memory_space<vmem_shared>>)
      tpu.yield
    }) : () -> ()
    %mul3A_53 = arith.constant 640 : i32
    %mul3A_54 = arith.muli %arg1, %mul3A_53 : i32
    %add3A_55 = arith.constant 320 : i32
    %add3A_56 = arith.addi %mul3A_54, %add3A_55 : i32
    %add3A_57 = arith.constant 48 : i32
    %add3A_58 = arith.addi %add3A_56, %add3A_57 : i32
    "tpu.region"() ({
      %run_scoped3A = tpu.sem_alloc : memref<!tpu.dma_semaphore, #tpu.memory_space<semaphore_mem>>
      %dma_start3A = arith.constant 0 : i32
      %dma_start3A_109 = tpu.memref_slice %arg20[%add3A_58, %dma_start3A] : memref<10240x128xf32, #tpu.memory_space<vmem_shared>> -> memref<32x128xf32, #tpu.memory_space<vmem_shared>>
      %dma_start3A_110 = arith.constant 0 : i32
      %dma_start3A_111 = tpu.memref_slice %arg20[%add3A_58, %dma_start3A_110] : memref<10240x128xf32, #tpu.memory_space<vmem_shared>> -> memref<32x128xf32, #tpu.memory_space<vmem_shared>>
      tpu.enqueue_dma source(%arg15 : memref<32x128xf32, #tpu.memory_space<vmem>>) target(%dma_start3A_111 : memref<32x128xf32, #tpu.memory_space<vmem_shared>>) target_semaphore(%run_scoped3A : memref<!tpu.dma_semaphore, #tpu.memory_space<semaphore_mem>>)
      %dma_wait3A = arith.constant 0 : i32
      %dma_wait3A_112 = tpu.memref_slice %arg20[%add3A_58, %dma_wait3A] : memref<10240x128xf32, #tpu.memory_space<vmem_shared>> -> memref<32x128xf32, #tpu.memory_space<vmem_shared>>
      %dma_wait3A_113 = arith.constant 0 : i32
      %dma_wait3A_114 = tpu.memref_slice %arg20[%add3A_58, %dma_wait3A_113] : memref<10240x128xf32, #tpu.memory_space<vmem_shared>> -> memref<32x128xf32, #tpu.memory_space<vmem_shared>>
      tpu.wait_dma2 semaphore(%run_scoped3A : memref<!tpu.dma_semaphore, #tpu.memory_space<semaphore_mem>>) src(%arg15 : memref<32x128xf32, #tpu.memory_space<vmem>>) dst(%dma_wait3A_114 : memref<32x128xf32, #tpu.memory_space<vmem_shared>>)
      tpu.yield
    }) : () -> ()
    %mul3A_59 = arith.constant 640 : i32
    %mul3A_60 = arith.muli %arg1, %mul3A_59 : i32
    %add3A_61 = arith.constant 400 : i32
    %add3A_62 = arith.addi %mul3A_60, %add3A_61 : i32
    "tpu.region"() ({
      %run_scoped3A = tpu.sem_alloc : memref<!tpu.dma_semaphore, #tpu.memory_space<semaphore_mem>>
      %dma_start3A = arith.constant 0 : i32
      %dma_start3A_109 = tpu.memref_slice %arg20[%add3A_62, %dma_start3A] : memref<10240x128xf32, #tpu.memory_space<vmem_shared>> -> memref<48x128xf32, #tpu.memory_space<vmem_shared>>
      %dma_start3A_110 = arith.constant 0 : i32
      %dma_start3A_111 = tpu.memref_slice %arg20[%add3A_62, %dma_start3A_110] : memref<10240x128xf32, #tpu.memory_space<vmem_shared>> -> memref<48x128xf32, #tpu.memory_space<vmem_shared>>
      tpu.enqueue_dma source(%arg14 : memref<48x128xf32, #tpu.memory_space<vmem>>) target(%dma_start3A_111 : memref<48x128xf32, #tpu.memory_space<vmem_shared>>) target_semaphore(%run_scoped3A : memref<!tpu.dma_semaphore, #tpu.memory_space<semaphore_mem>>)
      %dma_wait3A = arith.constant 0 : i32
      %dma_wait3A_112 = tpu.memref_slice %arg20[%add3A_62, %dma_wait3A] : memref<10240x128xf32, #tpu.memory_space<vmem_shared>> -> memref<48x128xf32, #tpu.memory_space<vmem_shared>>
      %dma_wait3A_113 = arith.constant 0 : i32
      %dma_wait3A_114 = tpu.memref_slice %arg20[%add3A_62, %dma_wait3A_113] : memref<10240x128xf32, #tpu.memory_space<vmem_shared>> -> memref<48x128xf32, #tpu.memory_space<vmem_shared>>
      tpu.wait_dma2 semaphore(%run_scoped3A : memref<!tpu.dma_semaphore, #tpu.memory_space<semaphore_mem>>) src(%arg14 : memref<48x128xf32, #tpu.memory_space<vmem>>) dst(%dma_wait3A_114 : memref<48x128xf32, #tpu.memory_space<vmem_shared>>)
      tpu.yield
    }) : () -> ()
    %mul3A_63 = arith.constant 640 : i32
    %mul3A_64 = arith.muli %arg1, %mul3A_63 : i32
    %add3A_65 = arith.constant 400 : i32
    %add3A_66 = arith.addi %mul3A_64, %add3A_65 : i32
    %add3A_67 = arith.constant 48 : i32
    %add3A_68 = arith.addi %add3A_66, %add3A_67 : i32
    "tpu.region"() ({
      %run_scoped3A = tpu.sem_alloc : memref<!tpu.dma_semaphore, #tpu.memory_space<semaphore_mem>>
      %dma_start3A = arith.constant 0 : i32
      %dma_start3A_109 = tpu.memref_slice %arg20[%add3A_68, %dma_start3A] : memref<10240x128xf32, #tpu.memory_space<vmem_shared>> -> memref<32x128xf32, #tpu.memory_space<vmem_shared>>
      %dma_start3A_110 = arith.constant 0 : i32
      %dma_start3A_111 = tpu.memref_slice %arg20[%add3A_68, %dma_start3A_110] : memref<10240x128xf32, #tpu.memory_space<vmem_shared>> -> memref<32x128xf32, #tpu.memory_space<vmem_shared>>
      tpu.enqueue_dma source(%arg15 : memref<32x128xf32, #tpu.memory_space<vmem>>) target(%dma_start3A_111 : memref<32x128xf32, #tpu.memory_space<vmem_shared>>) target_semaphore(%run_scoped3A : memref<!tpu.dma_semaphore, #tpu.memory_space<semaphore_mem>>)
      %dma_wait3A = arith.constant 0 : i32
      %dma_wait3A_112 = tpu.memref_slice %arg20[%add3A_68, %dma_wait3A] : memref<10240x128xf32, #tpu.memory_space<vmem_shared>> -> memref<32x128xf32, #tpu.memory_space<vmem_shared>>
      %dma_wait3A_113 = arith.constant 0 : i32
      %dma_wait3A_114 = tpu.memref_slice %arg20[%add3A_68, %dma_wait3A_113] : memref<10240x128xf32, #tpu.memory_space<vmem_shared>> -> memref<32x128xf32, #tpu.memory_space<vmem_shared>>
      tpu.wait_dma2 semaphore(%run_scoped3A : memref<!tpu.dma_semaphore, #tpu.memory_space<semaphore_mem>>) src(%arg15 : memref<32x128xf32, #tpu.memory_space<vmem>>) dst(%dma_wait3A_114 : memref<32x128xf32, #tpu.memory_space<vmem_shared>>)
      tpu.yield
    }) : () -> ()
    %mul3A_69 = arith.constant 640 : i32
    %mul3A_70 = arith.muli %arg1, %mul3A_69 : i32
    %add3A_71 = arith.constant 480 : i32
    %add3A_72 = arith.addi %mul3A_70, %add3A_71 : i32
    "tpu.region"() ({
      %run_scoped3A = tpu.sem_alloc : memref<!tpu.dma_semaphore, #tpu.memory_space<semaphore_mem>>
      %dma_start3A = arith.constant 0 : i32
      %dma_start3A_109 = tpu.memref_slice %arg20[%add3A_72, %dma_start3A] : memref<10240x128xf32, #tpu.memory_space<vmem_shared>> -> memref<48x128xf32, #tpu.memory_space<vmem_shared>>
      %dma_start3A_110 = arith.constant 0 : i32
      %dma_start3A_111 = tpu.memref_slice %arg20[%add3A_72, %dma_start3A_110] : memref<10240x128xf32, #tpu.memory_space<vmem_shared>> -> memref<48x128xf32, #tpu.memory_space<vmem_shared>>
      tpu.enqueue_dma source(%arg14 : memref<48x128xf32, #tpu.memory_space<vmem>>) target(%dma_start3A_111 : memref<48x128xf32, #tpu.memory_space<vmem_shared>>) target_semaphore(%run_scoped3A : memref<!tpu.dma_semaphore, #tpu.memory_space<semaphore_mem>>)
      %dma_wait3A = arith.constant 0 : i32
      %dma_wait3A_112 = tpu.memref_slice %arg20[%add3A_72, %dma_wait3A] : memref<10240x128xf32, #tpu.memory_space<vmem_shared>> -> memref<48x128xf32, #tpu.memory_space<vmem_shared>>
      %dma_wait3A_113 = arith.constant 0 : i32
      %dma_wait3A_114 = tpu.memref_slice %arg20[%add3A_72, %dma_wait3A_113] : memref<10240x128xf32, #tpu.memory_space<vmem_shared>> -> memref<48x128xf32, #tpu.memory_space<vmem_shared>>
      tpu.wait_dma2 semaphore(%run_scoped3A : memref<!tpu.dma_semaphore, #tpu.memory_space<semaphore_mem>>) src(%arg14 : memref<48x128xf32, #tpu.memory_space<vmem>>) dst(%dma_wait3A_114 : memref<48x128xf32, #tpu.memory_space<vmem_shared>>)
      tpu.yield
    }) : () -> ()
    %mul3A_73 = arith.constant 640 : i32
    %mul3A_74 = arith.muli %arg1, %mul3A_73 : i32
    %add3A_75 = arith.constant 480 : i32
    %add3A_76 = arith.addi %mul3A_74, %add3A_75 : i32
    %add3A_77 = arith.constant 48 : i32
    %add3A_78 = arith.addi %add3A_76, %add3A_77 : i32
    "tpu.region"() ({
      %run_scoped3A = tpu.sem_alloc : memref<!tpu.dma_semaphore, #tpu.memory_space<semaphore_mem>>
      %dma_start3A = arith.constant 0 : i32
      %dma_start3A_109 = tpu.memref_slice %arg20[%add3A_78, %dma_start3A] : memref<10240x128xf32, #tpu.memory_space<vmem_shared>> -> memref<32x128xf32, #tpu.memory_space<vmem_shared>>
      %dma_start3A_110 = arith.constant 0 : i32
      %dma_start3A_111 = tpu.memref_slice %arg20[%add3A_78, %dma_start3A_110] : memref<10240x128xf32, #tpu.memory_space<vmem_shared>> -> memref<32x128xf32, #tpu.memory_space<vmem_shared>>
      tpu.enqueue_dma source(%arg15 : memref<32x128xf32, #tpu.memory_space<vmem>>) target(%dma_start3A_111 : memref<32x128xf32, #tpu.memory_space<vmem_shared>>) target_semaphore(%run_scoped3A : memref<!tpu.dma_semaphore, #tpu.memory_space<semaphore_mem>>)
      %dma_wait3A = arith.constant 0 : i32
      %dma_wait3A_112 = tpu.memref_slice %arg20[%add3A_78, %dma_wait3A] : memref<10240x128xf32, #tpu.memory_space<vmem_shared>> -> memref<32x128xf32, #tpu.memory_space<vmem_shared>>
      %dma_wait3A_113 = arith.constant 0 : i32
      %dma_wait3A_114 = tpu.memref_slice %arg20[%add3A_78, %dma_wait3A_113] : memref<10240x128xf32, #tpu.memory_space<vmem_shared>> -> memref<32x128xf32, #tpu.memory_space<vmem_shared>>
      tpu.wait_dma2 semaphore(%run_scoped3A : memref<!tpu.dma_semaphore, #tpu.memory_space<semaphore_mem>>) src(%arg15 : memref<32x128xf32, #tpu.memory_space<vmem>>) dst(%dma_wait3A_114 : memref<32x128xf32, #tpu.memory_space<vmem_shared>>)
      tpu.yield
    }) : () -> ()
    %mul3A_79 = arith.constant 640 : i32
    %mul3A_80 = arith.muli %arg1, %mul3A_79 : i32
    %add3A_81 = arith.constant 560 : i32
    %add3A_82 = arith.addi %mul3A_80, %add3A_81 : i32
    "tpu.region"() ({
      %run_scoped3A = tpu.sem_alloc : memref<!tpu.dma_semaphore, #tpu.memory_space<semaphore_mem>>
      %dma_start3A = arith.constant 0 : i32
      %dma_start3A_109 = tpu.memref_slice %arg20[%add3A_82, %dma_start3A] : memref<10240x128xf32, #tpu.memory_space<vmem_shared>> -> memref<48x128xf32, #tpu.memory_space<vmem_shared>>
      %dma_start3A_110 = arith.constant 0 : i32
      %dma_start3A_111 = tpu.memref_slice %arg20[%add3A_82, %dma_start3A_110] : memref<10240x128xf32, #tpu.memory_space<vmem_shared>> -> memref<48x128xf32, #tpu.memory_space<vmem_shared>>
      tpu.enqueue_dma source(%arg14 : memref<48x128xf32, #tpu.memory_space<vmem>>) target(%dma_start3A_111 : memref<48x128xf32, #tpu.memory_space<vmem_shared>>) target_semaphore(%run_scoped3A : memref<!tpu.dma_semaphore, #tpu.memory_space<semaphore_mem>>)
      %dma_wait3A = arith.constant 0 : i32
      %dma_wait3A_112 = tpu.memref_slice %arg20[%add3A_82, %dma_wait3A] : memref<10240x128xf32, #tpu.memory_space<vmem_shared>> -> memref<48x128xf32, #tpu.memory_space<vmem_shared>>
      %dma_wait3A_113 = arith.constant 0 : i32
      %dma_wait3A_114 = tpu.memref_slice %arg20[%add3A_82, %dma_wait3A_113] : memref<10240x128xf32, #tpu.memory_space<vmem_shared>> -> memref<48x128xf32, #tpu.memory_space<vmem_shared>>
      tpu.wait_dma2 semaphore(%run_scoped3A : memref<!tpu.dma_semaphore, #tpu.memory_space<semaphore_mem>>) src(%arg14 : memref<48x128xf32, #tpu.memory_space<vmem>>) dst(%dma_wait3A_114 : memref<48x128xf32, #tpu.memory_space<vmem_shared>>)
      tpu.yield
    }) : () -> ()
    %mul3A_83 = arith.constant 640 : i32
    %mul3A_84 = arith.muli %arg1, %mul3A_83 : i32
    %add3A_85 = arith.constant 560 : i32
    %add3A_86 = arith.addi %mul3A_84, %add3A_85 : i32
    %add3A_87 = arith.constant 48 : i32
    %add3A_88 = arith.addi %add3A_86, %add3A_87 : i32
    "tpu.region"() ({
      %run_scoped3A = tpu.sem_alloc : memref<!tpu.dma_semaphore, #tpu.memory_space<semaphore_mem>>
      %dma_start3A = arith.constant 0 : i32
      %dma_start3A_109 = tpu.memref_slice %arg20[%add3A_88, %dma_start3A] : memref<10240x128xf32, #tpu.memory_space<vmem_shared>> -> memref<32x128xf32, #tpu.memory_space<vmem_shared>>
      %dma_start3A_110 = arith.constant 0 : i32
      %dma_start3A_111 = tpu.memref_slice %arg20[%add3A_88, %dma_start3A_110] : memref<10240x128xf32, #tpu.memory_space<vmem_shared>> -> memref<32x128xf32, #tpu.memory_space<vmem_shared>>
      tpu.enqueue_dma source(%arg15 : memref<32x128xf32, #tpu.memory_space<vmem>>) target(%dma_start3A_111 : memref<32x128xf32, #tpu.memory_space<vmem_shared>>) target_semaphore(%run_scoped3A : memref<!tpu.dma_semaphore, #tpu.memory_space<semaphore_mem>>)
      %dma_wait3A = arith.constant 0 : i32
      %dma_wait3A_112 = tpu.memref_slice %arg20[%add3A_88, %dma_wait3A] : memref<10240x128xf32, #tpu.memory_space<vmem_shared>> -> memref<32x128xf32, #tpu.memory_space<vmem_shared>>
      %dma_wait3A_113 = arith.constant 0 : i32
      %dma_wait3A_114 = tpu.memref_slice %arg20[%add3A_88, %dma_wait3A_113] : memref<10240x128xf32, #tpu.memory_space<vmem_shared>> -> memref<32x128xf32, #tpu.memory_space<vmem_shared>>
      tpu.wait_dma2 semaphore(%run_scoped3A : memref<!tpu.dma_semaphore, #tpu.memory_space<semaphore_mem>>) src(%arg15 : memref<32x128xf32, #tpu.memory_space<vmem>>) dst(%dma_wait3A_114 : memref<32x128xf32, #tpu.memory_space<vmem_shared>>)
      tpu.yield
    }) : () -> ()
    %barrier3A = arith.constant 0 : index
    tpu.barrier barrier_id(%barrier3A)
    %mul3A_89 = arith.constant 10000 : i32
    %mul3A_90 = arith.muli %arg0, %mul3A_89 : i32
    %mul3A_91 = arith.constant 10000 : i32
    %mul3A_92 = arith.muli %arg0, %mul3A_91 : i32
    %add3A_93 = arith.constant 20000 : i32
    %add3A_94 = arith.addi %add3A_93, %mul3A_92 : i32
    %scan3A_95 = arith.constant 0 : i32
    %scan3A_96 = arith.constant 0 : i32
    %scan3A_97 = arith.constant 5 : i32
    %scan3A_98 = arith.addi %scan3A_96, %scan3A_97 : i32
    %scan3A_99 = arith.constant 1 : i32
    scf.for %scan3A_109 = %scan3A_96 to %scan3A_98 step %scan3A_99  : i32 {
      %mul3A_110 = arith.constant 10000 : i32
      %mul3A_111 = arith.muli %arg1, %mul3A_110 : i32
      %mul3A_112 = arith.constant 2000 : i32
      %mul3A_113 = arith.muli %scan3A_109, %mul3A_112 : i32
      %add3A_114 = arith.addi %mul3A_111, %mul3A_113 : i32
      "tpu.region"() ({
        %run_scoped3A = tpu.sem_alloc : memref<!tpu.dma_semaphore, #tpu.memory_space<semaphore_mem>>
        %dma_start3A = tpu.memref_slice %arg4[%add3A_114] : memref<320000xi32, #tpu.memory_space<hbm>> -> memref<2000xi32, #tpu.memory_space<hbm>>
        %dma_start3A_123 = tpu.memref_slice %arg4[%add3A_114] : memref<320000xi32, #tpu.memory_space<hbm>> -> memref<2000xi32, #tpu.memory_space<hbm>>
        tpu.enqueue_dma source(%dma_start3A_123 : memref<2000xi32, #tpu.memory_space<hbm>>) target(%arg6 : memref<2000xi32, #tpu.memory_space<vmem>>) target_semaphore(%run_scoped3A : memref<!tpu.dma_semaphore, #tpu.memory_space<semaphore_mem>>)
        %dma_wait3A = tpu.memref_slice %arg4[%add3A_114] : memref<320000xi32, #tpu.memory_space<hbm>> -> memref<2000xi32, #tpu.memory_space<hbm>>
        %dma_wait3A_124 = tpu.memref_slice %arg4[%add3A_114] : memref<320000xi32, #tpu.memory_space<hbm>> -> memref<2000xi32, #tpu.memory_space<hbm>>
        tpu.wait_dma2 semaphore(%run_scoped3A : memref<!tpu.dma_semaphore, #tpu.memory_space<semaphore_mem>>) src(%dma_wait3A_124 : memref<2000xi32, #tpu.memory_space<hbm>>) dst(%arg6 : memref<2000xi32, #tpu.memory_space<vmem>>)
        tpu.yield
      }) : () -> ()
      %add3A_115 = arith.constant 160000 : i32
      %add3A_116 = arith.addi %add3A_115, %add3A_114 : i32
      "tpu.region"() ({
        %run_scoped3A = tpu.sem_alloc : memref<!tpu.dma_semaphore, #tpu.memory_space<semaphore_mem>>
        %dma_start3A = tpu.memref_slice %arg4[%add3A_116] : memref<320000xi32, #tpu.memory_space<hbm>> -> memref<2000xi32, #tpu.memory_space<hbm>>
        %dma_start3A_123 = tpu.memref_slice %arg4[%add3A_116] : memref<320000xi32, #tpu.memory_space<hbm>> -> memref<2000xi32, #tpu.memory_space<hbm>>
        tpu.enqueue_dma source(%dma_start3A_123 : memref<2000xi32, #tpu.memory_space<hbm>>) target(%arg7 : memref<2000xi32, #tpu.memory_space<vmem>>) target_semaphore(%run_scoped3A : memref<!tpu.dma_semaphore, #tpu.memory_space<semaphore_mem>>)
        %dma_wait3A = tpu.memref_slice %arg4[%add3A_116] : memref<320000xi32, #tpu.memory_space<hbm>> -> memref<2000xi32, #tpu.memory_space<hbm>>
        %dma_wait3A_124 = tpu.memref_slice %arg4[%add3A_116] : memref<320000xi32, #tpu.memory_space<hbm>> -> memref<2000xi32, #tpu.memory_space<hbm>>
        tpu.wait_dma2 semaphore(%run_scoped3A : memref<!tpu.dma_semaphore, #tpu.memory_space<semaphore_mem>>) src(%dma_wait3A_124 : memref<2000xi32, #tpu.memory_space<hbm>>) dst(%arg7 : memref<2000xi32, #tpu.memory_space<vmem>>)
        tpu.yield
      }) : () -> ()
      %scan3A_117 = arith.constant 0 : i32
      %scan3A_118 = arith.constant 0 : i32
      %scan3A_119 = arith.constant 25 : i32
      %scan3A_120 = arith.addi %scan3A_118, %scan3A_119 : i32
      %scan3A_121 = arith.constant 1 : i32
      scf.for %scan3A_123 = %scan3A_118 to %scan3A_120 step %scan3A_121  : i32 {
        %mul3A_124 = arith.constant 80 : i32
        %mul3A_125 = arith.muli %scan3A_123, %mul3A_124 : i32
        %add3A_126 = arith.constant 0 : i32
        %add3A_127 = arith.addi %mul3A_125, %add3A_126 : i32
        %get3A = arith.index_cast %add3A_127 : i32 to index
        %get3A_128 = tpu.vector_load %arg6[%get3A] {strides = array<i32>} : memref<2000xi32, #tpu.memory_space<vmem>>, vector<16xi32>,
        %get3A_129 = vector.shape_cast %get3A_128 : vector<16xi32> to vector<16xi32>
        %add3A_130 = vector.broadcast %mul3A_90 : i32 to vector<16xi32>
        %add3A_131 = arith.addi %get3A_129, %add3A_130 : vector<16xi32>
        %add3A_132 = arith.constant 0 : i32
        %add3A_133 = arith.addi %mul3A_125, %add3A_132 : i32
        %get3A_134 = arith.index_cast %add3A_133 : i32 to index
        %get3A_135 = tpu.vector_load %arg7[%get3A_134] {strides = array<i32>} : memref<2000xi32, #tpu.memory_space<vmem>>, vector<16xi32>,
        %get3A_136 = vector.shape_cast %get3A_135 : vector<16xi32> to vector<16xi32>
        %swap3A = arith.constant 0 : index
        %swap3A_137 = tpu.vector_load %arg8[%swap3A] {strides = array<i32>} : memref<48xi32, #tpu.memory_space<vmem>>, vector<16xi32>,
        %swap3A_138 = vector.shape_cast %swap3A_137 : vector<16xi32> to vector<16xi32>
        %swap3A_139 = vector.shape_cast %add3A_131 : vector<16xi32> to vector<16xi32>
        tpu.vector_store %arg8[%swap3A], %swap3A_139 {strides = array<i32>} : memref<48xi32, #tpu.memory_space<vmem>>, vector<16xi32>,
        %swap3A_140 = arith.constant 0 : index
        %swap3A_141 = tpu.vector_load %arg12[%swap3A_140] {strides = array<i32>} : memref<48xi32, #tpu.memory_space<vmem>>, vector<16xi32>,
        %swap3A_142 = vector.shape_cast %swap3A_141 : vector<16xi32> to vector<16xi32>
        %swap3A_143 = vector.shape_cast %get3A_136 : vector<16xi32> to vector<16xi32>
        tpu.vector_store %arg12[%swap3A_140], %swap3A_143 {strides = array<i32>} : memref<48xi32, #tpu.memory_space<vmem>>, vector<16xi32>,
        %add3A_144 = vector.broadcast %add3A_94 : i32 to vector<16xi32>
        %add3A_145 = arith.addi %get3A_136, %add3A_144 : vector<16xi32>
        %swap3A_146 = arith.constant 0 : index
        %swap3A_147 = tpu.vector_load %arg10[%swap3A_146] {strides = array<i32>} : memref<48xi32, #tpu.memory_space<vmem>>, vector<16xi32>,
        %swap3A_148 = vector.shape_cast %swap3A_147 : vector<16xi32> to vector<16xi32>
        %swap3A_149 = vector.shape_cast %add3A_145 : vector<16xi32> to vector<16xi32>
        tpu.vector_store %arg10[%swap3A_146], %swap3A_149 {strides = array<i32>} : memref<48xi32, #tpu.memory_space<vmem>>, vector<16xi32>,
        %add3A_150 = arith.constant 16 : i32
        %add3A_151 = arith.addi %mul3A_125, %add3A_150 : i32
        %get3A_152 = arith.index_cast %add3A_151 : i32 to index
        %get3A_153 = tpu.vector_load %arg6[%get3A_152] {strides = array<i32>} : memref<2000xi32, #tpu.memory_space<vmem>>, vector<16xi32>,
        %get3A_154 = vector.shape_cast %get3A_153 : vector<16xi32> to vector<16xi32>
        %add3A_155 = vector.broadcast %mul3A_90 : i32 to vector<16xi32>
        %add3A_156 = arith.addi %get3A_154, %add3A_155 : vector<16xi32>
        %add3A_157 = arith.constant 16 : i32
        %add3A_158 = arith.addi %mul3A_125, %add3A_157 : i32
        %get3A_159 = arith.index_cast %add3A_158 : i32 to index
        %get3A_160 = tpu.vector_load %arg7[%get3A_159] {strides = array<i32>} : memref<2000xi32, #tpu.memory_space<vmem>>, vector<16xi32>,
        %get3A_161 = vector.shape_cast %get3A_160 : vector<16xi32> to vector<16xi32>
        %swap3A_162 = arith.constant 16 : index
        %swap3A_163 = tpu.vector_load %arg8[%swap3A_162] {strides = array<i32>} : memref<48xi32, #tpu.memory_space<vmem>>, vector<16xi32>,
        %swap3A_164 = vector.shape_cast %swap3A_163 : vector<16xi32> to vector<16xi32>
        %swap3A_165 = vector.shape_cast %add3A_156 : vector<16xi32> to vector<16xi32>
        tpu.vector_store %arg8[%swap3A_162], %swap3A_165 {strides = array<i32>} : memref<48xi32, #tpu.memory_space<vmem>>, vector<16xi32>,
        %swap3A_166 = arith.constant 16 : index
        %swap3A_167 = tpu.vector_load %arg12[%swap3A_166] {strides = array<i32>} : memref<48xi32, #tpu.memory_space<vmem>>, vector<16xi32>,
        %swap3A_168 = vector.shape_cast %swap3A_167 : vector<16xi32> to vector<16xi32>
        %swap3A_169 = vector.shape_cast %get3A_161 : vector<16xi32> to vector<16xi32>
        tpu.vector_store %arg12[%swap3A_166], %swap3A_169 {strides = array<i32>} : memref<48xi32, #tpu.memory_space<vmem>>, vector<16xi32>,
        %add3A_170 = vector.broadcast %add3A_94 : i32 to vector<16xi32>
        %add3A_171 = arith.addi %get3A_161, %add3A_170 : vector<16xi32>
        %swap3A_172 = arith.constant 16 : index
        %swap3A_173 = tpu.vector_load %arg10[%swap3A_172] {strides = array<i32>} : memref<48xi32, #tpu.memory_space<vmem>>, vector<16xi32>,
        %swap3A_174 = vector.shape_cast %swap3A_173 : vector<16xi32> to vector<16xi32>
        %swap3A_175 = vector.shape_cast %add3A_171 : vector<16xi32> to vector<16xi32>
        tpu.vector_store %arg10[%swap3A_172], %swap3A_175 {strides = array<i32>} : memref<48xi32, #tpu.memory_space<vmem>>, vector<16xi32>,
        %add3A_176 = arith.constant 32 : i32
        %add3A_177 = arith.addi %mul3A_125, %add3A_176 : i32
        %get3A_178 = arith.index_cast %add3A_177 : i32 to index
        %get3A_179 = tpu.vector_load %arg6[%get3A_178] {strides = array<i32>} : memref<2000xi32, #tpu.memory_space<vmem>>, vector<16xi32>,
        %get3A_180 = vector.shape_cast %get3A_179 : vector<16xi32> to vector<16xi32>
        %add3A_181 = vector.broadcast %mul3A_90 : i32 to vector<16xi32>
        %add3A_182 = arith.addi %get3A_180, %add3A_181 : vector<16xi32>
        %add3A_183 = arith.constant 32 : i32
        %add3A_184 = arith.addi %mul3A_125, %add3A_183 : i32
        %get3A_185 = arith.index_cast %add3A_184 : i32 to index
        %get3A_186 = tpu.vector_load %arg7[%get3A_185] {strides = array<i32>} : memref<2000xi32, #tpu.memory_space<vmem>>, vector<16xi32>,
        %get3A_187 = vector.shape_cast %get3A_186 : vector<16xi32> to vector<16xi32>
        %swap3A_188 = arith.constant 32 : index
        %swap3A_189 = tpu.vector_load %arg8[%swap3A_188] {strides = array<i32>} : memref<48xi32, #tpu.memory_space<vmem>>, vector<16xi32>,
        %swap3A_190 = vector.shape_cast %swap3A_189 : vector<16xi32> to vector<16xi32>
        %swap3A_191 = vector.shape_cast %add3A_182 : vector<16xi32> to vector<16xi32>
        tpu.vector_store %arg8[%swap3A_188], %swap3A_191 {strides = array<i32>} : memref<48xi32, #tpu.memory_space<vmem>>, vector<16xi32>,
        %swap3A_192 = arith.constant 32 : index
        %swap3A_193 = tpu.vector_load %arg12[%swap3A_192] {strides = array<i32>} : memref<48xi32, #tpu.memory_space<vmem>>, vector<16xi32>,
        %swap3A_194 = vector.shape_cast %swap3A_193 : vector<16xi32> to vector<16xi32>
        %swap3A_195 = vector.shape_cast %get3A_187 : vector<16xi32> to vector<16xi32>
        tpu.vector_store %arg12[%swap3A_192], %swap3A_195 {strides = array<i32>} : memref<48xi32, #tpu.memory_space<vmem>>, vector<16xi32>,
        %add3A_196 = vector.broadcast %add3A_94 : i32 to vector<16xi32>
        %add3A_197 = arith.addi %get3A_187, %add3A_196 : vector<16xi32>
        %swap3A_198 = arith.constant 32 : index
        %swap3A_199 = tpu.vector_load %arg10[%swap3A_198] {strides = array<i32>} : memref<48xi32, #tpu.memory_space<vmem>>, vector<16xi32>,
        %swap3A_200 = vector.shape_cast %swap3A_199 : vector<16xi32> to vector<16xi32>
        %swap3A_201 = vector.shape_cast %add3A_197 : vector<16xi32> to vector<16xi32>
        tpu.vector_store %arg10[%swap3A_198], %swap3A_201 {strides = array<i32>} : memref<48xi32, #tpu.memory_space<vmem>>, vector<16xi32>,
        %add3A_202 = arith.constant 48 : i32
        %add3A_203 = arith.addi %mul3A_125, %add3A_202 : i32
        %get3A_204 = arith.index_cast %add3A_203 : i32 to index
        %get3A_205 = tpu.vector_load %arg6[%get3A_204] {strides = array<i32>} : memref<2000xi32, #tpu.memory_space<vmem>>, vector<16xi32>,
        %get3A_206 = vector.shape_cast %get3A_205 : vector<16xi32> to vector<16xi32>
        %add3A_207 = vector.broadcast %mul3A_90 : i32 to vector<16xi32>
        %add3A_208 = arith.addi %get3A_206, %add3A_207 : vector<16xi32>
        %add3A_209 = arith.constant 48 : i32
        %add3A_210 = arith.addi %mul3A_125, %add3A_209 : i32
        %get3A_211 = arith.index_cast %add3A_210 : i32 to index
        %get3A_212 = tpu.vector_load %arg7[%get3A_211] {strides = array<i32>} : memref<2000xi32, #tpu.memory_space<vmem>>, vector<16xi32>,
        %get3A_213 = vector.shape_cast %get3A_212 : vector<16xi32> to vector<16xi32>
        %swap3A_214 = arith.constant 0 : index
        %swap3A_215 = tpu.vector_load %arg9[%swap3A_214] {strides = array<i32>} : memref<32xi32, #tpu.memory_space<vmem>>, vector<16xi32>,
        %swap3A_216 = vector.shape_cast %swap3A_215 : vector<16xi32> to vector<16xi32>
        %swap3A_217 = vector.shape_cast %add3A_208 : vector<16xi32> to vector<16xi32>
        tpu.vector_store %arg9[%swap3A_214], %swap3A_217 {strides = array<i32>} : memref<32xi32, #tpu.memory_space<vmem>>, vector<16xi32>,
        %swap3A_218 = arith.constant 0 : index
        %swap3A_219 = tpu.vector_load %arg13[%swap3A_218] {strides = array<i32>} : memref<32xi32, #tpu.memory_space<vmem>>, vector<16xi32>,
        %swap3A_220 = vector.shape_cast %swap3A_219 : vector<16xi32> to vector<16xi32>
        %swap3A_221 = vector.shape_cast %get3A_213 : vector<16xi32> to vector<16xi32>
        tpu.vector_store %arg13[%swap3A_218], %swap3A_221 {strides = array<i32>} : memref<32xi32, #tpu.memory_space<vmem>>, vector<16xi32>,
        %add3A_222 = vector.broadcast %add3A_94 : i32 to vector<16xi32>
        %add3A_223 = arith.addi %get3A_213, %add3A_222 : vector<16xi32>
        %swap3A_224 = arith.constant 0 : index
        %swap3A_225 = tpu.vector_load %arg11[%swap3A_224] {strides = array<i32>} : memref<32xi32, #tpu.memory_space<vmem>>, vector<16xi32>,
        %swap3A_226 = vector.shape_cast %swap3A_225 : vector<16xi32> to vector<16xi32>
        %swap3A_227 = vector.shape_cast %add3A_223 : vector<16xi32> to vector<16xi32>
        tpu.vector_store %arg11[%swap3A_224], %swap3A_227 {strides = array<i32>} : memref<32xi32, #tpu.memory_space<vmem>>, vector<16xi32>,
        %add3A_228 = arith.constant 64 : i32
        %add3A_229 = arith.addi %mul3A_125, %add3A_228 : i32
        %get3A_230 = arith.index_cast %add3A_229 : i32 to index
        %get3A_231 = tpu.vector_load %arg6[%get3A_230] {strides = array<i32>} : memref<2000xi32, #tpu.memory_space<vmem>>, vector<16xi32>,
        %get3A_232 = vector.shape_cast %get3A_231 : vector<16xi32> to vector<16xi32>
        %add3A_233 = vector.broadcast %mul3A_90 : i32 to vector<16xi32>
        %add3A_234 = arith.addi %get3A_232, %add3A_233 : vector<16xi32>
        %add3A_235 = arith.constant 64 : i32
        %add3A_236 = arith.addi %mul3A_125, %add3A_235 : i32
        %get3A_237 = arith.index_cast %add3A_236 : i32 to index
        %get3A_238 = tpu.vector_load %arg7[%get3A_237] {strides = array<i32>} : memref<2000xi32, #tpu.memory_space<vmem>>, vector<16xi32>,
        %get3A_239 = vector.shape_cast %get3A_238 : vector<16xi32> to vector<16xi32>
        %swap3A_240 = arith.constant 16 : index
        %swap3A_241 = tpu.vector_load %arg9[%swap3A_240] {strides = array<i32>} : memref<32xi32, #tpu.memory_space<vmem>>, vector<16xi32>,
        %swap3A_242 = vector.shape_cast %swap3A_241 : vector<16xi32> to vector<16xi32>
        %swap3A_243 = vector.shape_cast %add3A_234 : vector<16xi32> to vector<16xi32>
        tpu.vector_store %arg9[%swap3A_240], %swap3A_243 {strides = array<i32>} : memref<32xi32, #tpu.memory_space<vmem>>, vector<16xi32>,
        %swap3A_244 = arith.constant 16 : index
        %swap3A_245 = tpu.vector_load %arg13[%swap3A_244] {strides = array<i32>} : memref<32xi32, #tpu.memory_space<vmem>>, vector<16xi32>,
        %swap3A_246 = vector.shape_cast %swap3A_245 : vector<16xi32> to vector<16xi32>
        %swap3A_247 = vector.shape_cast %get3A_239 : vector<16xi32> to vector<16xi32>
        tpu.vector_store %arg13[%swap3A_244], %swap3A_247 {strides = array<i32>} : memref<32xi32, #tpu.memory_space<vmem>>, vector<16xi32>,
        %add3A_248 = vector.broadcast %add3A_94 : i32 to vector<16xi32>
        %add3A_249 = arith.addi %get3A_239, %add3A_248 : vector<16xi32>
        %swap3A_250 = arith.constant 16 : index
        %swap3A_251 = tpu.vector_load %arg11[%swap3A_250] {strides = array<i32>} : memref<32xi32, #tpu.memory_space<vmem>>, vector<16xi32>,
        %swap3A_252 = vector.shape_cast %swap3A_251 : vector<16xi32> to vector<16xi32>
        %swap3A_253 = vector.shape_cast %add3A_249 : vector<16xi32> to vector<16xi32>
        tpu.vector_store %arg11[%swap3A_250], %swap3A_253 {strides = array<i32>} : memref<32xi32, #tpu.memory_space<vmem>>, vector<16xi32>,
        %add3A_254 = arith.addi %add3A_114, %mul3A_125 : i32
        %dma_start3A = arith.constant 0 : i32
        %dma_start3A_255 = arith.constant 0 : i32
        %dma_start3A_256 = tpu.memref_slice %arg2[%dma_start3A, %dma_start3A_255] : memref<40000x128xf32, #tpu.memory_space<hbm>> -> memref<40000x128xf32, #tpu.memory_space<hbm>>
        tpu.enqueue_indirect_dma source(%dma_start3A_256 : memref<40000x128xf32, #tpu.memory_space<hbm>>) target(%arg14 : memref<48x128xf32, #tpu.memory_space<vmem>>) offsets(%arg8 : memref<48xi32, #tpu.memory_space<vmem>>) semaphore(%arg21 : memref<!tpu.dma_semaphore, #tpu.memory_space<semaphore_mem>>)
        %dma_start3A_257 = arith.constant 0 : i32
        %dma_start3A_258 = arith.constant 0 : i32
        %dma_start3A_259 = tpu.memref_slice %arg2[%dma_start3A_257, %dma_start3A_258] : memref<40000x128xf32, #tpu.memory_space<hbm>> -> memref<40000x128xf32, #tpu.memory_space<hbm>>
        tpu.enqueue_indirect_dma source(%dma_start3A_259 : memref<40000x128xf32, #tpu.memory_space<hbm>>) target(%arg16 : memref<48x128xf32, #tpu.memory_space<vmem>>) offsets(%arg10 : memref<48xi32, #tpu.memory_space<vmem>>) semaphore(%arg21 : memref<!tpu.dma_semaphore, #tpu.memory_space<semaphore_mem>>)
        %mul3A_260 = arith.constant 160000 : i32
        %mul3A_261 = arith.muli %arg0, %mul3A_260 : i32
        %add3A_262 = arith.addi %mul3A_261, %add3A_254 : i32
        %dma_start3A_263 = arith.constant 0 : i32
        %dma_start3A_264 = tpu.memref_slice %arg3[%add3A_262, %dma_start3A_263] : memref<320000x128xf32, #tpu.memory_space<hbm>> -> memref<48x128xf32, #tpu.memory_space<hbm>>
        %dma_start3A_265 = arith.constant 0 : i32
        %dma_start3A_266 = tpu.memref_slice %arg3[%add3A_262, %dma_start3A_265] : memref<320000x128xf32, #tpu.memory_space<hbm>> -> memref<48x128xf32, #tpu.memory_space<hbm>>
        tpu.enqueue_dma source(%dma_start3A_266 : memref<48x128xf32, #tpu.memory_space<hbm>>) target(%arg18 : memref<48x128xf32, #tpu.memory_space<vmem>>) target_semaphore(%arg21 : memref<!tpu.dma_semaphore, #tpu.memory_space<semaphore_mem>>)
        %dma_start3A_267 = arith.constant 0 : i32
        %dma_start3A_268 = arith.constant 0 : i32
        %dma_start3A_269 = tpu.memref_slice %arg2[%dma_start3A_267, %dma_start3A_268] : memref<40000x128xf32, #tpu.memory_space<hbm>> -> memref<40000x128xf32, #tpu.memory_space<hbm>>
        tpu.enqueue_indirect_dma source(%dma_start3A_269 : memref<40000x128xf32, #tpu.memory_space<hbm>>) target(%arg15 : memref<32x128xf32, #tpu.memory_space<vmem>>) offsets(%arg9 : memref<32xi32, #tpu.memory_space<vmem>>) semaphore(%arg21 : memref<!tpu.dma_semaphore, #tpu.memory_space<semaphore_mem>>)
        %dma_start3A_270 = arith.constant 0 : i32
        %dma_start3A_271 = arith.constant 0 : i32
        %dma_start3A_272 = tpu.memref_slice %arg2[%dma_start3A_270, %dma_start3A_271] : memref<40000x128xf32, #tpu.memory_space<hbm>> -> memref<40000x128xf32, #tpu.memory_space<hbm>>
        tpu.enqueue_indirect_dma source(%dma_start3A_272 : memref<40000x128xf32, #tpu.memory_space<hbm>>) target(%arg17 : memref<32x128xf32, #tpu.memory_space<vmem>>) offsets(%arg11 : memref<32xi32, #tpu.memory_space<vmem>>) semaphore(%arg21 : memref<!tpu.dma_semaphore, #tpu.memory_space<semaphore_mem>>)
        %mul3A_273 = arith.constant 160000 : i32
        %mul3A_274 = arith.muli %arg0, %mul3A_273 : i32
        %add3A_275 = arith.addi %mul3A_274, %add3A_254 : i32
        %add3A_276 = arith.constant 48 : i32
        %add3A_277 = arith.addi %add3A_275, %add3A_276 : i32
        %dma_start3A_278 = arith.constant 0 : i32
        %dma_start3A_279 = tpu.memref_slice %arg3[%add3A_277, %dma_start3A_278] : memref<320000x128xf32, #tpu.memory_space<hbm>> -> memref<32x128xf32, #tpu.memory_space<hbm>>
        %dma_start3A_280 = arith.constant 0 : i32
        %dma_start3A_281 = tpu.memref_slice %arg3[%add3A_277, %dma_start3A_280] : memref<320000x128xf32, #tpu.memory_space<hbm>> -> memref<32x128xf32, #tpu.memory_space<hbm>>
        tpu.enqueue_dma source(%dma_start3A_281 : memref<32x128xf32, #tpu.memory_space<hbm>>) target(%arg19 : memref<32x128xf32, #tpu.memory_space<vmem>>) target_semaphore(%arg21 : memref<!tpu.dma_semaphore, #tpu.memory_space<semaphore_mem>>)
        %dma_wait3A = arith.constant 0 : i32
        %dma_wait3A_282 = arith.constant 0 : i32
        %dma_wait3A_283 = tpu.memref_slice %arg2[%dma_wait3A, %dma_wait3A_282] : memref<40000x128xf32, #tpu.memory_space<hbm>> -> memref<40000x128xf32, #tpu.memory_space<hbm>>
        tpu.wait_indirect_dma semaphore(%arg21 : memref<!tpu.dma_semaphore, #tpu.memory_space<semaphore_mem>>) src(%dma_wait3A_283 : memref<40000x128xf32, #tpu.memory_space<hbm>>) dst(%arg14 : memref<48x128xf32, #tpu.memory_space<vmem>>)
        %dma_wait3A_284 = arith.constant 0 : i32
        %dma_wait3A_285 = arith.constant 0 : i32
        %dma_wait3A_286 = tpu.memref_slice %arg2[%dma_wait3A_284, %dma_wait3A_285] : memref<40000x128xf32, #tpu.memory_space<hbm>> -> memref<40000x128xf32, #tpu.memory_space<hbm>>
        tpu.wait_indirect_dma semaphore(%arg21 : memref<!tpu.dma_semaphore, #tpu.memory_space<semaphore_mem>>) src(%dma_wait3A_286 : memref<40000x128xf32, #tpu.memory_space<hbm>>) dst(%arg16 : memref<48x128xf32, #tpu.memory_space<vmem>>)
        %dma_wait3A_287 = arith.constant 0 : i32
        %dma_wait3A_288 = tpu.memref_slice %arg3[%add3A_262, %dma_wait3A_287] : memref<320000x128xf32, #tpu.memory_space<hbm>> -> memref<48x128xf32, #tpu.memory_space<hbm>>
        %dma_wait3A_289 = arith.constant 0 : i32
        %dma_wait3A_290 = tpu.memref_slice %arg3[%add3A_262, %dma_wait3A_289] : memref<320000x128xf32, #tpu.memory_space<hbm>> -> memref<48x128xf32, #tpu.memory_space<hbm>>
        tpu.wait_dma2 semaphore(%arg21 : memref<!tpu.dma_semaphore, #tpu.memory_space<semaphore_mem>>) src(%dma_wait3A_290 : memref<48x128xf32, #tpu.memory_space<hbm>>) dst(%arg18 : memref<48x128xf32, #tpu.memory_space<vmem>>)
        %scan3A_291 = arith.constant 0 : i32
        %scan3A_292 = arith.constant 0 : i32
        %scan3A_293 = arith.constant 48 : i32
        %scan3A_294 = arith.addi %scan3A_292, %scan3A_293 : i32
        %scan3A_295 = arith.constant 1 : i32
        scf.for %scan3A_319 = %scan3A_292 to %scan3A_294 step %scan3A_295  : i32 {
          %get3A_320 = arith.index_cast %scan3A_319 : i32 to index
          %get3A_321 = arith.constant 0 : index
          %get3A_322 = tpu.vector_load %arg14[%get3A_320, %get3A_321] {strides = array<i32>} : memref<48x128xf32, #tpu.memory_space<vmem>>, vector<1x16xf32>,
          %get3A_323 = vector.shape_cast %get3A_322 : vector<1x16xf32> to vector<16xf32>
          %get3A_324 = arith.index_cast %scan3A_319 : i32 to index
          %get3A_325 = arith.constant 0 : index
          %get3A_326 = tpu.vector_load %arg16[%get3A_324, %get3A_325] {strides = array<i32>} : memref<48x128xf32, #tpu.memory_space<vmem>>, vector<1x16xf32>,
          %get3A_327 = vector.shape_cast %get3A_326 : vector<1x16xf32> to vector<16xf32>
          %add3A_328 = arith.addf %get3A_323, %get3A_327 : vector<16xf32>
          %get3A_329 = arith.index_cast %scan3A_319 : i32 to index
          %get3A_330 = arith.constant 0 : index
          %get3A_331 = tpu.vector_load %arg18[%get3A_329, %get3A_330] {strides = array<i32>} : memref<48x128xf32, #tpu.memory_space<vmem>>, vector<1x16xf32>,
          %get3A_332 = vector.shape_cast %get3A_331 : vector<1x16xf32> to vector<16xf32>
          %add3A_333 = arith.addf %add3A_328, %get3A_332 : vector<16xf32>
          %max3A = arith.constant 0.000000e+00 : f32
          %max3A_334 = vector.broadcast %max3A : f32 to vector<16xf32>
          %max3A_335 = arith.maximumf %add3A_333, %max3A_334 : vector<16xf32>
          %swap3A_336 = arith.index_cast %scan3A_319 : i32 to index
          %swap3A_337 = arith.constant 0 : index
          %swap3A_338 = tpu.vector_load %arg14[%swap3A_336, %swap3A_337] {strides = array<i32>} : memref<48x128xf32, #tpu.memory_space<vmem>>, vector<1x16xf32>,
          %swap3A_339 = vector.shape_cast %swap3A_338 : vector<1x16xf32> to vector<16xf32>
          %swap3A_340 = vector.shape_cast %max3A_335 : vector<16xf32> to vector<1x16xf32>
          tpu.vector_store %arg14[%swap3A_336, %swap3A_337], %swap3A_340 {strides = array<i32>} : memref<48x128xf32, #tpu.memory_space<vmem>>, vector<1x16xf32>,
          %get3A_341 = arith.index_cast %scan3A_319 : i32 to index
          %get3A_342 = arith.constant 16 : index
          %get3A_343 = tpu.vector_load %arg14[%get3A_341, %get3A_342] {strides = array<i32>} : memref<48x128xf32, #tpu.memory_space<vmem>>, vector<1x16xf32>,
          %get3A_344 = vector.shape_cast %get3A_343 : vector<1x16xf32> to vector<16xf32>
          %get3A_345 = arith.index_cast %scan3A_319 : i32 to index
          %get3A_346 = arith.constant 16 : index
          %get3A_347 = tpu.vector_load %arg16[%get3A_345, %get3A_346] {strides = array<i32>} : memref<48x128xf32, #tpu.memory_space<vmem>>, vector<1x16xf32>,
          %get3A_348 = vector.shape_cast %get3A_347 : vector<1x16xf32> to vector<16xf32>
          %add3A_349 = arith.addf %get3A_344, %get3A_348 : vector<16xf32>
          %get3A_350 = arith.index_cast %scan3A_319 : i32 to index
          %get3A_351 = arith.constant 16 : index
          %get3A_352 = tpu.vector_load %arg18[%get3A_350, %get3A_351] {strides = array<i32>} : memref<48x128xf32, #tpu.memory_space<vmem>>, vector<1x16xf32>,
          %get3A_353 = vector.shape_cast %get3A_352 : vector<1x16xf32> to vector<16xf32>
          %add3A_354 = arith.addf %add3A_349, %get3A_353 : vector<16xf32>
          %max3A_355 = arith.constant 0.000000e+00 : f32
          %max3A_356 = vector.broadcast %max3A_355 : f32 to vector<16xf32>
          %max3A_357 = arith.maximumf %add3A_354, %max3A_356 : vector<16xf32>
          %swap3A_358 = arith.index_cast %scan3A_319 : i32 to index
          %swap3A_359 = arith.constant 16 : index
          %swap3A_360 = tpu.vector_load %arg14[%swap3A_358, %swap3A_359] {strides = array<i32>} : memref<48x128xf32, #tpu.memory_space<vmem>>, vector<1x16xf32>,
          %swap3A_361 = vector.shape_cast %swap3A_360 : vector<1x16xf32> to vector<16xf32>
          %swap3A_362 = vector.shape_cast %max3A_357 : vector<16xf32> to vector<1x16xf32>
          tpu.vector_store %arg14[%swap3A_358, %swap3A_359], %swap3A_362 {strides = array<i32>} : memref<48x128xf32, #tpu.memory_space<vmem>>, vector<1x16xf32>,
          %get3A_363 = arith.index_cast %scan3A_319 : i32 to index
          %get3A_364 = arith.constant 32 : index
          %get3A_365 = tpu.vector_load %arg14[%get3A_363, %get3A_364] {strides = array<i32>} : memref<48x128xf32, #tpu.memory_space<vmem>>, vector<1x16xf32>,
          %get3A_366 = vector.shape_cast %get3A_365 : vector<1x16xf32> to vector<16xf32>
          %get3A_367 = arith.index_cast %scan3A_319 : i32 to index
          %get3A_368 = arith.constant 32 : index
          %get3A_369 = tpu.vector_load %arg16[%get3A_367, %get3A_368] {strides = array<i32>} : memref<48x128xf32, #tpu.memory_space<vmem>>, vector<1x16xf32>,
          %get3A_370 = vector.shape_cast %get3A_369 : vector<1x16xf32> to vector<16xf32>
          %add3A_371 = arith.addf %get3A_366, %get3A_370 : vector<16xf32>
          %get3A_372 = arith.index_cast %scan3A_319 : i32 to index
          %get3A_373 = arith.constant 32 : index
          %get3A_374 = tpu.vector_load %arg18[%get3A_372, %get3A_373] {strides = array<i32>} : memref<48x128xf32, #tpu.memory_space<vmem>>, vector<1x16xf32>,
          %get3A_375 = vector.shape_cast %get3A_374 : vector<1x16xf32> to vector<16xf32>
          %add3A_376 = arith.addf %add3A_371, %get3A_375 : vector<16xf32>
          %max3A_377 = arith.constant 0.000000e+00 : f32
          %max3A_378 = vector.broadcast %max3A_377 : f32 to vector<16xf32>
          %max3A_379 = arith.maximumf %add3A_376, %max3A_378 : vector<16xf32>
          %swap3A_380 = arith.index_cast %scan3A_319 : i32 to index
          %swap3A_381 = arith.constant 32 : index
          %swap3A_382 = tpu.vector_load %arg14[%swap3A_380, %swap3A_381] {strides = array<i32>} : memref<48x128xf32, #tpu.memory_space<vmem>>, vector<1x16xf32>,
          %swap3A_383 = vector.shape_cast %swap3A_382 : vector<1x16xf32> to vector<16xf32>
          %swap3A_384 = vector.shape_cast %max3A_379 : vector<16xf32> to vector<1x16xf32>
          tpu.vector_store %arg14[%swap3A_380, %swap3A_381], %swap3A_384 {strides = array<i32>} : memref<48x128xf32, #tpu.memory_space<vmem>>, vector<1x16xf32>,
          %get3A_385 = arith.index_cast %scan3A_319 : i32 to index
          %get3A_386 = arith.constant 48 : index
          %get3A_387 = tpu.vector_load %arg14[%get3A_385, %get3A_386] {strides = array<i32>} : memref<48x128xf32, #tpu.memory_space<vmem>>, vector<1x16xf32>,
          %get3A_388 = vector.shape_cast %get3A_387 : vector<1x16xf32> to vector<16xf32>
          %get3A_389 = arith.index_cast %scan3A_319 : i32 to index
          %get3A_390 = arith.constant 48 : index
          %get3A_391 = tpu.vector_load %arg16[%get3A_389, %get3A_390] {strides = array<i32>} : memref<48x128xf32, #tpu.memory_space<vmem>>, vector<1x16xf32>,
          %get3A_392 = vector.shape_cast %get3A_391 : vector<1x16xf32> to vector<16xf32>
          %add3A_393 = arith.addf %get3A_388, %get3A_392 : vector<16xf32>
          %get3A_394 = arith.index_cast %scan3A_319 : i32 to index
          %get3A_395 = arith.constant 48 : index
          %get3A_396 = tpu.vector_load %arg18[%get3A_394, %get3A_395] {strides = array<i32>} : memref<48x128xf32, #tpu.memory_space<vmem>>, vector<1x16xf32>,
          %get3A_397 = vector.shape_cast %get3A_396 : vector<1x16xf32> to vector<16xf32>
          %add3A_398 = arith.addf %add3A_393, %get3A_397 : vector<16xf32>
          %max3A_399 = arith.constant 0.000000e+00 : f32
          %max3A_400 = vector.broadcast %max3A_399 : f32 to vector<16xf32>
          %max3A_401 = arith.maximumf %add3A_398, %max3A_400 : vector<16xf32>
          %swap3A_402 = arith.index_cast %scan3A_319 : i32 to index
          %swap3A_403 = arith.constant 48 : index
          %swap3A_404 = tpu.vector_load %arg14[%swap3A_402, %swap3A_403] {strides = array<i32>} : memref<48x128xf32, #tpu.memory_space<vmem>>, vector<1x16xf32>,
          %swap3A_405 = vector.shape_cast %swap3A_404 : vector<1x16xf32> to vector<16xf32>
          %swap3A_406 = vector.shape_cast %max3A_401 : vector<16xf32> to vector<1x16xf32>
          tpu.vector_store %arg14[%swap3A_402, %swap3A_403], %swap3A_406 {strides = array<i32>} : memref<48x128xf32, #tpu.memory_space<vmem>>, vector<1x16xf32>,
          %get3A_407 = arith.index_cast %scan3A_319 : i32 to index
          %get3A_408 = arith.constant 64 : index
          %get3A_409 = tpu.vector_load %arg14[%get3A_407, %get3A_408] {strides = array<i32>} : memref<48x128xf32, #tpu.memory_space<vmem>>, vector<1x16xf32>,
          %get3A_410 = vector.shape_cast %get3A_409 : vector<1x16xf32> to vector<16xf32>
          %get3A_411 = arith.index_cast %scan3A_319 : i32 to index
          %get3A_412 = arith.constant 64 : index
          %get3A_413 = tpu.vector_load %arg16[%get3A_411, %get3A_412] {strides = array<i32>} : memref<48x128xf32, #tpu.memory_space<vmem>>, vector<1x16xf32>,
          %get3A_414 = vector.shape_cast %get3A_413 : vector<1x16xf32> to vector<16xf32>
          %add3A_415 = arith.addf %get3A_410, %get3A_414 : vector<16xf32>
          %get3A_416 = arith.index_cast %scan3A_319 : i32 to index
          %get3A_417 = arith.constant 64 : index
          %get3A_418 = tpu.vector_load %arg18[%get3A_416, %get3A_417] {strides = array<i32>} : memref<48x128xf32, #tpu.memory_space<vmem>>, vector<1x16xf32>,
          %get3A_419 = vector.shape_cast %get3A_418 : vector<1x16xf32> to vector<16xf32>
          %add3A_420 = arith.addf %add3A_415, %get3A_419 : vector<16xf32>
          %max3A_421 = arith.constant 0.000000e+00 : f32
          %max3A_422 = vector.broadcast %max3A_421 : f32 to vector<16xf32>
          %max3A_423 = arith.maximumf %add3A_420, %max3A_422 : vector<16xf32>
          %swap3A_424 = arith.index_cast %scan3A_319 : i32 to index
          %swap3A_425 = arith.constant 64 : index
          %swap3A_426 = tpu.vector_load %arg14[%swap3A_424, %swap3A_425] {strides = array<i32>} : memref<48x128xf32, #tpu.memory_space<vmem>>, vector<1x16xf32>,
          %swap3A_427 = vector.shape_cast %swap3A_426 : vector<1x16xf32> to vector<16xf32>
          %swap3A_428 = vector.shape_cast %max3A_423 : vector<16xf32> to vector<1x16xf32>
          tpu.vector_store %arg14[%swap3A_424, %swap3A_425], %swap3A_428 {strides = array<i32>} : memref<48x128xf32, #tpu.memory_space<vmem>>, vector<1x16xf32>,
          %get3A_429 = arith.index_cast %scan3A_319 : i32 to index
          %get3A_430 = arith.constant 80 : index
          %get3A_431 = tpu.vector_load %arg14[%get3A_429, %get3A_430] {strides = array<i32>} : memref<48x128xf32, #tpu.memory_space<vmem>>, vector<1x16xf32>,
          %get3A_432 = vector.shape_cast %get3A_431 : vector<1x16xf32> to vector<16xf32>
          %get3A_433 = arith.index_cast %scan3A_319 : i32 to index
          %get3A_434 = arith.constant 80 : index
          %get3A_435 = tpu.vector_load %arg16[%get3A_433, %get3A_434] {strides = array<i32>} : memref<48x128xf32, #tpu.memory_space<vmem>>, vector<1x16xf32>,
          %get3A_436 = vector.shape_cast %get3A_435 : vector<1x16xf32> to vector<16xf32>
          %add3A_437 = arith.addf %get3A_432, %get3A_436 : vector<16xf32>
          %get3A_438 = arith.index_cast %scan3A_319 : i32 to index
          %get3A_439 = arith.constant 80 : index
          %get3A_440 = tpu.vector_load %arg18[%get3A_438, %get3A_439] {strides = array<i32>} : memref<48x128xf32, #tpu.memory_space<vmem>>, vector<1x16xf32>,
          %get3A_441 = vector.shape_cast %get3A_440 : vector<1x16xf32> to vector<16xf32>
          %add3A_442 = arith.addf %add3A_437, %get3A_441 : vector<16xf32>
          %max3A_443 = arith.constant 0.000000e+00 : f32
          %max3A_444 = vector.broadcast %max3A_443 : f32 to vector<16xf32>
          %max3A_445 = arith.maximumf %add3A_442, %max3A_444 : vector<16xf32>
          %swap3A_446 = arith.index_cast %scan3A_319 : i32 to index
          %swap3A_447 = arith.constant 80 : index
          %swap3A_448 = tpu.vector_load %arg14[%swap3A_446, %swap3A_447] {strides = array<i32>} : memref<48x128xf32, #tpu.memory_space<vmem>>, vector<1x16xf32>,
          %swap3A_449 = vector.shape_cast %swap3A_448 : vector<1x16xf32> to vector<16xf32>
          %swap3A_450 = vector.shape_cast %max3A_445 : vector<16xf32> to vector<1x16xf32>
          tpu.vector_store %arg14[%swap3A_446, %swap3A_447], %swap3A_450 {strides = array<i32>} : memref<48x128xf32, #tpu.memory_space<vmem>>, vector<1x16xf32>,
          %get3A_451 = arith.index_cast %scan3A_319 : i32 to index
          %get3A_452 = arith.constant 96 : index
          %get3A_453 = tpu.vector_load %arg14[%get3A_451, %get3A_452] {strides = array<i32>} : memref<48x128xf32, #tpu.memory_space<vmem>>, vector<1x16xf32>,
          %get3A_454 = vector.shape_cast %get3A_453 : vector<1x16xf32> to vector<16xf32>
          %get3A_455 = arith.index_cast %scan3A_319 : i32 to index
          %get3A_456 = arith.constant 96 : index
          %get3A_457 = tpu.vector_load %arg16[%get3A_455, %get3A_456] {strides = array<i32>} : memref<48x128xf32, #tpu.memory_space<vmem>>, vector<1x16xf32>,
          %get3A_458 = vector.shape_cast %get3A_457 : vector<1x16xf32> to vector<16xf32>
          %add3A_459 = arith.addf %get3A_454, %get3A_458 : vector<16xf32>
          %get3A_460 = arith.index_cast %scan3A_319 : i32 to index
          %get3A_461 = arith.constant 96 : index
          %get3A_462 = tpu.vector_load %arg18[%get3A_460, %get3A_461] {strides = array<i32>} : memref<48x128xf32, #tpu.memory_space<vmem>>, vector<1x16xf32>,
          %get3A_463 = vector.shape_cast %get3A_462 : vector<1x16xf32> to vector<16xf32>
          %add3A_464 = arith.addf %add3A_459, %get3A_463 : vector<16xf32>
          %max3A_465 = arith.constant 0.000000e+00 : f32
          %max3A_466 = vector.broadcast %max3A_465 : f32 to vector<16xf32>
          %max3A_467 = arith.maximumf %add3A_464, %max3A_466 : vector<16xf32>
          %swap3A_468 = arith.index_cast %scan3A_319 : i32 to index
          %swap3A_469 = arith.constant 96 : index
          %swap3A_470 = tpu.vector_load %arg14[%swap3A_468, %swap3A_469] {strides = array<i32>} : memref<48x128xf32, #tpu.memory_space<vmem>>, vector<1x16xf32>,
          %swap3A_471 = vector.shape_cast %swap3A_470 : vector<1x16xf32> to vector<16xf32>
          %swap3A_472 = vector.shape_cast %max3A_467 : vector<16xf32> to vector<1x16xf32>
          tpu.vector_store %arg14[%swap3A_468, %swap3A_469], %swap3A_472 {strides = array<i32>} : memref<48x128xf32, #tpu.memory_space<vmem>>, vector<1x16xf32>,
          %get3A_473 = arith.index_cast %scan3A_319 : i32 to index
          %get3A_474 = arith.constant 112 : index
          %get3A_475 = tpu.vector_load %arg14[%get3A_473, %get3A_474] {strides = array<i32>} : memref<48x128xf32, #tpu.memory_space<vmem>>, vector<1x16xf32>,
          %get3A_476 = vector.shape_cast %get3A_475 : vector<1x16xf32> to vector<16xf32>
          %get3A_477 = arith.index_cast %scan3A_319 : i32 to index
          %get3A_478 = arith.constant 112 : index
          %get3A_479 = tpu.vector_load %arg16[%get3A_477, %get3A_478] {strides = array<i32>} : memref<48x128xf32, #tpu.memory_space<vmem>>, vector<1x16xf32>,
          %get3A_480 = vector.shape_cast %get3A_479 : vector<1x16xf32> to vector<16xf32>
          %add3A_481 = arith.addf %get3A_476, %get3A_480 : vector<16xf32>
          %get3A_482 = arith.index_cast %scan3A_319 : i32 to index
          %get3A_483 = arith.constant 112 : index
          %get3A_484 = tpu.vector_load %arg18[%get3A_482, %get3A_483] {strides = array<i32>} : memref<48x128xf32, #tpu.memory_space<vmem>>, vector<1x16xf32>,
          %get3A_485 = vector.shape_cast %get3A_484 : vector<1x16xf32> to vector<16xf32>
          %add3A_486 = arith.addf %add3A_481, %get3A_485 : vector<16xf32>
          %max3A_487 = arith.constant 0.000000e+00 : f32
          %max3A_488 = vector.broadcast %max3A_487 : f32 to vector<16xf32>
          %max3A_489 = arith.maximumf %add3A_486, %max3A_488 : vector<16xf32>
          %swap3A_490 = arith.index_cast %scan3A_319 : i32 to index
          %swap3A_491 = arith.constant 112 : index
          %swap3A_492 = tpu.vector_load %arg14[%swap3A_490, %swap3A_491] {strides = array<i32>} : memref<48x128xf32, #tpu.memory_space<vmem>>, vector<1x16xf32>,
          %swap3A_493 = vector.shape_cast %swap3A_492 : vector<1x16xf32> to vector<16xf32>
          %swap3A_494 = vector.shape_cast %max3A_489 : vector<16xf32> to vector<1x16xf32>
          tpu.vector_store %arg14[%swap3A_490, %swap3A_491], %swap3A_494 {strides = array<i32>} : memref<48x128xf32, #tpu.memory_space<vmem>>, vector<1x16xf32>,
        }
        %scan3A_296 = arith.constant 48 : i32
        %dma_wait3A_297 = arith.constant 0 : i32
        %dma_wait3A_298 = arith.constant 0 : i32
        %dma_wait3A_299 = tpu.memref_slice %arg2[%dma_wait3A_297, %dma_wait3A_298] : memref<40000x128xf32, #tpu.memory_space<hbm>> -> memref<40000x128xf32, #tpu.memory_space<hbm>>
        tpu.wait_indirect_dma semaphore(%arg21 : memref<!tpu.dma_semaphore, #tpu.memory_space<semaphore_mem>>) src(%dma_wait3A_299 : memref<40000x128xf32, #tpu.memory_space<hbm>>) dst(%arg15 : memref<32x128xf32, #tpu.memory_space<vmem>>)
        %dma_wait3A_300 = arith.constant 0 : i32
        %dma_wait3A_301 = arith.constant 0 : i32
        %dma_wait3A_302 = tpu.memref_slice %arg2[%dma_wait3A_300, %dma_wait3A_301] : memref<40000x128xf32, #tpu.memory_space<hbm>> -> memref<40000x128xf32, #tpu.memory_space<hbm>>
        tpu.wait_indirect_dma semaphore(%arg21 : memref<!tpu.dma_semaphore, #tpu.memory_space<semaphore_mem>>) src(%dma_wait3A_302 : memref<40000x128xf32, #tpu.memory_space<hbm>>) dst(%arg17 : memref<32x128xf32, #tpu.memory_space<vmem>>)
        %dma_wait3A_303 = arith.constant 0 : i32
        %dma_wait3A_304 = tpu.memref_slice %arg3[%add3A_277, %dma_wait3A_303] : memref<320000x128xf32, #tpu.memory_space<hbm>> -> memref<32x128xf32, #tpu.memory_space<hbm>>
        %dma_wait3A_305 = arith.constant 0 : i32
        %dma_wait3A_306 = tpu.memref_slice %arg3[%add3A_277, %dma_wait3A_305] : memref<320000x128xf32, #tpu.memory_space<hbm>> -> memref<32x128xf32, #tpu.memory_space<hbm>>
        tpu.wait_dma2 semaphore(%arg21 : memref<!tpu.dma_semaphore, #tpu.memory_space<semaphore_mem>>) src(%dma_wait3A_306 : memref<32x128xf32, #tpu.memory_space<hbm>>) dst(%arg19 : memref<32x128xf32, #tpu.memory_space<vmem>>)
        %dma_start3A_307 = arith.constant 0 : i32
        %dma_start3A_308 = arith.constant 0 : i32
        %dma_start3A_309 = tpu.memref_slice %arg20[%dma_start3A_307, %dma_start3A_308] : memref<10240x128xf32, #tpu.memory_space<vmem_shared>> -> memref<10240x128xf32, #tpu.memory_space<vmem_shared>>
        tpu.enqueue_indirect_dma source(%arg14 : memref<48x128xf32, #tpu.memory_space<vmem>>) target(%dma_start3A_309 : memref<10240x128xf32, #tpu.memory_space<vmem_shared>>) offsets(%arg12 : memref<48xi32, #tpu.memory_space<vmem>>) semaphore(%arg22 : memref<!tpu.dma_semaphore, #tpu.memory_space<semaphore_mem>>) {add = true}
        %scan3A_310 = arith.constant 0 : i32
        %scan3A_311 = arith.constant 0 : i32
        %scan3A_312 = arith.constant 32 : i32
        %scan3A_313 = arith.addi %scan3A_311, %scan3A_312 : i32
        %scan3A_314 = arith.constant 1 : i32
        scf.for %scan3A_319 = %scan3A_311 to %scan3A_313 step %scan3A_314  : i32 {
          %get3A_320 = arith.index_cast %scan3A_319 : i32 to index
          %get3A_321 = arith.constant 0 : index
          %get3A_322 = tpu.vector_load %arg15[%get3A_320, %get3A_321] {strides = array<i32>} : memref<32x128xf32, #tpu.memory_space<vmem>>, vector<1x16xf32>,
          %get3A_323 = vector.shape_cast %get3A_322 : vector<1x16xf32> to vector<16xf32>
          %get3A_324 = arith.index_cast %scan3A_319 : i32 to index
          %get3A_325 = arith.constant 0 : index
          %get3A_326 = tpu.vector_load %arg17[%get3A_324, %get3A_325] {strides = array<i32>} : memref<32x128xf32, #tpu.memory_space<vmem>>, vector<1x16xf32>,
          %get3A_327 = vector.shape_cast %get3A_326 : vector<1x16xf32> to vector<16xf32>
          %add3A_328 = arith.addf %get3A_323, %get3A_327 : vector<16xf32>
          %get3A_329 = arith.index_cast %scan3A_319 : i32 to index
          %get3A_330 = arith.constant 0 : index
          %get3A_331 = tpu.vector_load %arg19[%get3A_329, %get3A_330] {strides = array<i32>} : memref<32x128xf32, #tpu.memory_space<vmem>>, vector<1x16xf32>,
          %get3A_332 = vector.shape_cast %get3A_331 : vector<1x16xf32> to vector<16xf32>
          %add3A_333 = arith.addf %add3A_328, %get3A_332 : vector<16xf32>
          %max3A = arith.constant 0.000000e+00 : f32
          %max3A_334 = vector.broadcast %max3A : f32 to vector<16xf32>
          %max3A_335 = arith.maximumf %add3A_333, %max3A_334 : vector<16xf32>
          %swap3A_336 = arith.index_cast %scan3A_319 : i32 to index
          %swap3A_337 = arith.constant 0 : index
          %swap3A_338 = tpu.vector_load %arg15[%swap3A_336, %swap3A_337] {strides = array<i32>} : memref<32x128xf32, #tpu.memory_space<vmem>>, vector<1x16xf32>,
          %swap3A_339 = vector.shape_cast %swap3A_338 : vector<1x16xf32> to vector<16xf32>
          %swap3A_340 = vector.shape_cast %max3A_335 : vector<16xf32> to vector<1x16xf32>
          tpu.vector_store %arg15[%swap3A_336, %swap3A_337], %swap3A_340 {strides = array<i32>} : memref<32x128xf32, #tpu.memory_space<vmem>>, vector<1x16xf32>,
          %get3A_341 = arith.index_cast %scan3A_319 : i32 to index
          %get3A_342 = arith.constant 16 : index
          %get3A_343 = tpu.vector_load %arg15[%get3A_341, %get3A_342] {strides = array<i32>} : memref<32x128xf32, #tpu.memory_space<vmem>>, vector<1x16xf32>,
          %get3A_344 = vector.shape_cast %get3A_343 : vector<1x16xf32> to vector<16xf32>
          %get3A_345 = arith.index_cast %scan3A_319 : i32 to index
          %get3A_346 = arith.constant 16 : index
          %get3A_347 = tpu.vector_load %arg17[%get3A_345, %get3A_346] {strides = array<i32>} : memref<32x128xf32, #tpu.memory_space<vmem>>, vector<1x16xf32>,
          %get3A_348 = vector.shape_cast %get3A_347 : vector<1x16xf32> to vector<16xf32>
          %add3A_349 = arith.addf %get3A_344, %get3A_348 : vector<16xf32>
          %get3A_350 = arith.index_cast %scan3A_319 : i32 to index
          %get3A_351 = arith.constant 16 : index
          %get3A_352 = tpu.vector_load %arg19[%get3A_350, %get3A_351] {strides = array<i32>} : memref<32x128xf32, #tpu.memory_space<vmem>>, vector<1x16xf32>,
          %get3A_353 = vector.shape_cast %get3A_352 : vector<1x16xf32> to vector<16xf32>
          %add3A_354 = arith.addf %add3A_349, %get3A_353 : vector<16xf32>
          %max3A_355 = arith.constant 0.000000e+00 : f32
          %max3A_356 = vector.broadcast %max3A_355 : f32 to vector<16xf32>
          %max3A_357 = arith.maximumf %add3A_354, %max3A_356 : vector<16xf32>
          %swap3A_358 = arith.index_cast %scan3A_319 : i32 to index
          %swap3A_359 = arith.constant 16 : index
          %swap3A_360 = tpu.vector_load %arg15[%swap3A_358, %swap3A_359] {strides = array<i32>} : memref<32x128xf32, #tpu.memory_space<vmem>>, vector<1x16xf32>,
          %swap3A_361 = vector.shape_cast %swap3A_360 : vector<1x16xf32> to vector<16xf32>
          %swap3A_362 = vector.shape_cast %max3A_357 : vector<16xf32> to vector<1x16xf32>
          tpu.vector_store %arg15[%swap3A_358, %swap3A_359], %swap3A_362 {strides = array<i32>} : memref<32x128xf32, #tpu.memory_space<vmem>>, vector<1x16xf32>,
          %get3A_363 = arith.index_cast %scan3A_319 : i32 to index
          %get3A_364 = arith.constant 32 : index
          %get3A_365 = tpu.vector_load %arg15[%get3A_363, %get3A_364] {strides = array<i32>} : memref<32x128xf32, #tpu.memory_space<vmem>>, vector<1x16xf32>,
          %get3A_366 = vector.shape_cast %get3A_365 : vector<1x16xf32> to vector<16xf32>
          %get3A_367 = arith.index_cast %scan3A_319 : i32 to index
          %get3A_368 = arith.constant 32 : index
          %get3A_369 = tpu.vector_load %arg17[%get3A_367, %get3A_368] {strides = array<i32>} : memref<32x128xf32, #tpu.memory_space<vmem>>, vector<1x16xf32>,
          %get3A_370 = vector.shape_cast %get3A_369 : vector<1x16xf32> to vector<16xf32>
          %add3A_371 = arith.addf %get3A_366, %get3A_370 : vector<16xf32>
          %get3A_372 = arith.index_cast %scan3A_319 : i32 to index
          %get3A_373 = arith.constant 32 : index
          %get3A_374 = tpu.vector_load %arg19[%get3A_372, %get3A_373] {strides = array<i32>} : memref<32x128xf32, #tpu.memory_space<vmem>>, vector<1x16xf32>,
          %get3A_375 = vector.shape_cast %get3A_374 : vector<1x16xf32> to vector<16xf32>
          %add3A_376 = arith.addf %add3A_371, %get3A_375 : vector<16xf32>
          %max3A_377 = arith.constant 0.000000e+00 : f32
          %max3A_378 = vector.broadcast %max3A_377 : f32 to vector<16xf32>
          %max3A_379 = arith.maximumf %add3A_376, %max3A_378 : vector<16xf32>
          %swap3A_380 = arith.index_cast %scan3A_319 : i32 to index
          %swap3A_381 = arith.constant 32 : index
          %swap3A_382 = tpu.vector_load %arg15[%swap3A_380, %swap3A_381] {strides = array<i32>} : memref<32x128xf32, #tpu.memory_space<vmem>>, vector<1x16xf32>,
          %swap3A_383 = vector.shape_cast %swap3A_382 : vector<1x16xf32> to vector<16xf32>
          %swap3A_384 = vector.shape_cast %max3A_379 : vector<16xf32> to vector<1x16xf32>
          tpu.vector_store %arg15[%swap3A_380, %swap3A_381], %swap3A_384 {strides = array<i32>} : memref<32x128xf32, #tpu.memory_space<vmem>>, vector<1x16xf32>,
          %get3A_385 = arith.index_cast %scan3A_319 : i32 to index
          %get3A_386 = arith.constant 48 : index
          %get3A_387 = tpu.vector_load %arg15[%get3A_385, %get3A_386] {strides = array<i32>} : memref<32x128xf32, #tpu.memory_space<vmem>>, vector<1x16xf32>,
          %get3A_388 = vector.shape_cast %get3A_387 : vector<1x16xf32> to vector<16xf32>
          %get3A_389 = arith.index_cast %scan3A_319 : i32 to index
          %get3A_390 = arith.constant 48 : index
          %get3A_391 = tpu.vector_load %arg17[%get3A_389, %get3A_390] {strides = array<i32>} : memref<32x128xf32, #tpu.memory_space<vmem>>, vector<1x16xf32>,
          %get3A_392 = vector.shape_cast %get3A_391 : vector<1x16xf32> to vector<16xf32>
          %add3A_393 = arith.addf %get3A_388, %get3A_392 : vector<16xf32>
          %get3A_394 = arith.index_cast %scan3A_319 : i32 to index
          %get3A_395 = arith.constant 48 : index
          %get3A_396 = tpu.vector_load %arg19[%get3A_394, %get3A_395] {strides = array<i32>} : memref<32x128xf32, #tpu.memory_space<vmem>>, vector<1x16xf32>,
          %get3A_397 = vector.shape_cast %get3A_396 : vector<1x16xf32> to vector<16xf32>
          %add3A_398 = arith.addf %add3A_393, %get3A_397 : vector<16xf32>
          %max3A_399 = arith.constant 0.000000e+00 : f32
          %max3A_400 = vector.broadcast %max3A_399 : f32 to vector<16xf32>
          %max3A_401 = arith.maximumf %add3A_398, %max3A_400 : vector<16xf32>
          %swap3A_402 = arith.index_cast %scan3A_319 : i32 to index
          %swap3A_403 = arith.constant 48 : index
          %swap3A_404 = tpu.vector_load %arg15[%swap3A_402, %swap3A_403] {strides = array<i32>} : memref<32x128xf32, #tpu.memory_space<vmem>>, vector<1x16xf32>,
          %swap3A_405 = vector.shape_cast %swap3A_404 : vector<1x16xf32> to vector<16xf32>
          %swap3A_406 = vector.shape_cast %max3A_401 : vector<16xf32> to vector<1x16xf32>
          tpu.vector_store %arg15[%swap3A_402, %swap3A_403], %swap3A_406 {strides = array<i32>} : memref<32x128xf32, #tpu.memory_space<vmem>>, vector<1x16xf32>,
          %get3A_407 = arith.index_cast %scan3A_319 : i32 to index
          %get3A_408 = arith.constant 64 : index
          %get3A_409 = tpu.vector_load %arg15[%get3A_407, %get3A_408] {strides = array<i32>} : memref<32x128xf32, #tpu.memory_space<vmem>>, vector<1x16xf32>,
          %get3A_410 = vector.shape_cast %get3A_409 : vector<1x16xf32> to vector<16xf32>
          %get3A_411 = arith.index_cast %scan3A_319 : i32 to index
          %get3A_412 = arith.constant 64 : index
          %get3A_413 = tpu.vector_load %arg17[%get3A_411, %get3A_412] {strides = array<i32>} : memref<32x128xf32, #tpu.memory_space<vmem>>, vector<1x16xf32>,
          %get3A_414 = vector.shape_cast %get3A_413 : vector<1x16xf32> to vector<16xf32>
          %add3A_415 = arith.addf %get3A_410, %get3A_414 : vector<16xf32>
          %get3A_416 = arith.index_cast %scan3A_319 : i32 to index
          %get3A_417 = arith.constant 64 : index
          %get3A_418 = tpu.vector_load %arg19[%get3A_416, %get3A_417] {strides = array<i32>} : memref<32x128xf32, #tpu.memory_space<vmem>>, vector<1x16xf32>,
          %get3A_419 = vector.shape_cast %get3A_418 : vector<1x16xf32> to vector<16xf32>
          %add3A_420 = arith.addf %add3A_415, %get3A_419 : vector<16xf32>
          %max3A_421 = arith.constant 0.000000e+00 : f32
          %max3A_422 = vector.broadcast %max3A_421 : f32 to vector<16xf32>
          %max3A_423 = arith.maximumf %add3A_420, %max3A_422 : vector<16xf32>
          %swap3A_424 = arith.index_cast %scan3A_319 : i32 to index
          %swap3A_425 = arith.constant 64 : index
          %swap3A_426 = tpu.vector_load %arg15[%swap3A_424, %swap3A_425] {strides = array<i32>} : memref<32x128xf32, #tpu.memory_space<vmem>>, vector<1x16xf32>,
          %swap3A_427 = vector.shape_cast %swap3A_426 : vector<1x16xf32> to vector<16xf32>
          %swap3A_428 = vector.shape_cast %max3A_423 : vector<16xf32> to vector<1x16xf32>
          tpu.vector_store %arg15[%swap3A_424, %swap3A_425], %swap3A_428 {strides = array<i32>} : memref<32x128xf32, #tpu.memory_space<vmem>>, vector<1x16xf32>,
          %get3A_429 = arith.index_cast %scan3A_319 : i32 to index
          %get3A_430 = arith.constant 80 : index
          %get3A_431 = tpu.vector_load %arg15[%get3A_429, %get3A_430] {strides = array<i32>} : memref<32x128xf32, #tpu.memory_space<vmem>>, vector<1x16xf32>,
          %get3A_432 = vector.shape_cast %get3A_431 : vector<1x16xf32> to vector<16xf32>
          %get3A_433 = arith.index_cast %scan3A_319 : i32 to index
          %get3A_434 = arith.constant 80 : index
          %get3A_435 = tpu.vector_load %arg17[%get3A_433, %get3A_434] {strides = array<i32>} : memref<32x128xf32, #tpu.memory_space<vmem>>, vector<1x16xf32>,
          %get3A_436 = vector.shape_cast %get3A_435 : vector<1x16xf32> to vector<16xf32>
          %add3A_437 = arith.addf %get3A_432, %get3A_436 : vector<16xf32>
          %get3A_438 = arith.index_cast %scan3A_319 : i32 to index
          %get3A_439 = arith.constant 80 : index
          %get3A_440 = tpu.vector_load %arg19[%get3A_438, %get3A_439] {strides = array<i32>} : memref<32x128xf32, #tpu.memory_space<vmem>>, vector<1x16xf32>,
          %get3A_441 = vector.shape_cast %get3A_440 : vector<1x16xf32> to vector<16xf32>
          %add3A_442 = arith.addf %add3A_437, %get3A_441 : vector<16xf32>
          %max3A_443 = arith.constant 0.000000e+00 : f32
          %max3A_444 = vector.broadcast %max3A_443 : f32 to vector<16xf32>
          %max3A_445 = arith.maximumf %add3A_442, %max3A_444 : vector<16xf32>
          %swap3A_446 = arith.index_cast %scan3A_319 : i32 to index
          %swap3A_447 = arith.constant 80 : index
          %swap3A_448 = tpu.vector_load %arg15[%swap3A_446, %swap3A_447] {strides = array<i32>} : memref<32x128xf32, #tpu.memory_space<vmem>>, vector<1x16xf32>,
          %swap3A_449 = vector.shape_cast %swap3A_448 : vector<1x16xf32> to vector<16xf32>
          %swap3A_450 = vector.shape_cast %max3A_445 : vector<16xf32> to vector<1x16xf32>
          tpu.vector_store %arg15[%swap3A_446, %swap3A_447], %swap3A_450 {strides = array<i32>} : memref<32x128xf32, #tpu.memory_space<vmem>>, vector<1x16xf32>,
          %get3A_451 = arith.index_cast %scan3A_319 : i32 to index
          %get3A_452 = arith.constant 96 : index
          %get3A_453 = tpu.vector_load %arg15[%get3A_451, %get3A_452] {strides = array<i32>} : memref<32x128xf32, #tpu.memory_space<vmem>>, vector<1x16xf32>,
          %get3A_454 = vector.shape_cast %get3A_453 : vector<1x16xf32> to vector<16xf32>
          %get3A_455 = arith.index_cast %scan3A_319 : i32 to index
          %get3A_456 = arith.constant 96 : index
          %get3A_457 = tpu.vector_load %arg17[%get3A_455, %get3A_456] {strides = array<i32>} : memref<32x128xf32, #tpu.memory_space<vmem>>, vector<1x16xf32>,
          %get3A_458 = vector.shape_cast %get3A_457 : vector<1x16xf32> to vector<16xf32>
          %add3A_459 = arith.addf %get3A_454, %get3A_458 : vector<16xf32>
          %get3A_460 = arith.index_cast %scan3A_319 : i32 to index
          %get3A_461 = arith.constant 96 : index
          %get3A_462 = tpu.vector_load %arg19[%get3A_460, %get3A_461] {strides = array<i32>} : memref<32x128xf32, #tpu.memory_space<vmem>>, vector<1x16xf32>,
          %get3A_463 = vector.shape_cast %get3A_462 : vector<1x16xf32> to vector<16xf32>
          %add3A_464 = arith.addf %add3A_459, %get3A_463 : vector<16xf32>
          %max3A_465 = arith.constant 0.000000e+00 : f32
          %max3A_466 = vector.broadcast %max3A_465 : f32 to vector<16xf32>
          %max3A_467 = arith.maximumf %add3A_464, %max3A_466 : vector<16xf32>
          %swap3A_468 = arith.index_cast %scan3A_319 : i32 to index
          %swap3A_469 = arith.constant 96 : index
          %swap3A_470 = tpu.vector_load %arg15[%swap3A_468, %swap3A_469] {strides = array<i32>} : memref<32x128xf32, #tpu.memory_space<vmem>>, vector<1x16xf32>,
          %swap3A_471 = vector.shape_cast %swap3A_470 : vector<1x16xf32> to vector<16xf32>
          %swap3A_472 = vector.shape_cast %max3A_467 : vector<16xf32> to vector<1x16xf32>
          tpu.vector_store %arg15[%swap3A_468, %swap3A_469], %swap3A_472 {strides = array<i32>} : memref<32x128xf32, #tpu.memory_space<vmem>>, vector<1x16xf32>,
          %get3A_473 = arith.index_cast %scan3A_319 : i32 to index
          %get3A_474 = arith.constant 112 : index
          %get3A_475 = tpu.vector_load %arg15[%get3A_473, %get3A_474] {strides = array<i32>} : memref<32x128xf32, #tpu.memory_space<vmem>>, vector<1x16xf32>,
          %get3A_476 = vector.shape_cast %get3A_475 : vector<1x16xf32> to vector<16xf32>
          %get3A_477 = arith.index_cast %scan3A_319 : i32 to index
          %get3A_478 = arith.constant 112 : index
          %get3A_479 = tpu.vector_load %arg17[%get3A_477, %get3A_478] {strides = array<i32>} : memref<32x128xf32, #tpu.memory_space<vmem>>, vector<1x16xf32>,
          %get3A_480 = vector.shape_cast %get3A_479 : vector<1x16xf32> to vector<16xf32>
          %add3A_481 = arith.addf %get3A_476, %get3A_480 : vector<16xf32>
          %get3A_482 = arith.index_cast %scan3A_319 : i32 to index
          %get3A_483 = arith.constant 112 : index
          %get3A_484 = tpu.vector_load %arg19[%get3A_482, %get3A_483] {strides = array<i32>} : memref<32x128xf32, #tpu.memory_space<vmem>>, vector<1x16xf32>,
          %get3A_485 = vector.shape_cast %get3A_484 : vector<1x16xf32> to vector<16xf32>
          %add3A_486 = arith.addf %add3A_481, %get3A_485 : vector<16xf32>
          %max3A_487 = arith.constant 0.000000e+00 : f32
          %max3A_488 = vector.broadcast %max3A_487 : f32 to vector<16xf32>
          %max3A_489 = arith.maximumf %add3A_486, %max3A_488 : vector<16xf32>
          %swap3A_490 = arith.index_cast %scan3A_319 : i32 to index
          %swap3A_491 = arith.constant 112 : index
          %swap3A_492 = tpu.vector_load %arg15[%swap3A_490, %swap3A_491] {strides = array<i32>} : memref<32x128xf32, #tpu.memory_space<vmem>>, vector<1x16xf32>,
          %swap3A_493 = vector.shape_cast %swap3A_492 : vector<1x16xf32> to vector<16xf32>
          %swap3A_494 = vector.shape_cast %max3A_489 : vector<16xf32> to vector<1x16xf32>
          tpu.vector_store %arg15[%swap3A_490, %swap3A_491], %swap3A_494 {strides = array<i32>} : memref<32x128xf32, #tpu.memory_space<vmem>>, vector<1x16xf32>,
        }
        %scan3A_315 = arith.constant 32 : i32
        %dma_wait3A_316 = arith.constant 0 : i32
        %dma_wait3A_317 = arith.constant 0 : i32
        %dma_wait3A_318 = tpu.memref_slice %arg20[%dma_wait3A_316, %dma_wait3A_317] : memref<10240x128xf32, #tpu.memory_space<vmem_shared>> -> memref<10240x128xf32, #tpu.memory_space<vmem_shared>>
        tpu.wait_indirect_dma semaphore(%arg22 : memref<!tpu.dma_semaphore, #tpu.memory_space<semaphore_mem>>) src(%arg14 : memref<48x128xf32, #tpu.memory_space<vmem>>) dst(%dma_wait3A_318 : memref<10240x128xf32, #tpu.memory_space<vmem_shared>>)
        "tpu.region"() ({
          %run_scoped3A = tpu.sem_alloc : memref<!tpu.dma_semaphore, #tpu.memory_space<semaphore_mem>>
          %dma_start3A_319 = arith.constant 0 : i32
          %dma_start3A_320 = arith.constant 0 : i32
          %dma_start3A_321 = tpu.memref_slice %arg20[%dma_start3A_319, %dma_start3A_320] : memref<10240x128xf32, #tpu.memory_space<vmem_shared>> -> memref<10240x128xf32, #tpu.memory_space<vmem_shared>>
          tpu.enqueue_indirect_dma source(%arg15 : memref<32x128xf32, #tpu.memory_space<vmem>>) target(%dma_start3A_321 : memref<10240x128xf32, #tpu.memory_space<vmem_shared>>) offsets(%arg13 : memref<32xi32, #tpu.memory_space<vmem>>) semaphore(%run_scoped3A : memref<!tpu.dma_semaphore, #tpu.memory_space<semaphore_mem>>) {add = true}
          %dma_wait3A_322 = arith.constant 0 : i32
          %dma_wait3A_323 = arith.constant 0 : i32
          %dma_wait3A_324 = tpu.memref_slice %arg20[%dma_wait3A_322, %dma_wait3A_323] : memref<10240x128xf32, #tpu.memory_space<vmem_shared>> -> memref<10240x128xf32, #tpu.memory_space<vmem_shared>>
          tpu.wait_indirect_dma semaphore(%run_scoped3A : memref<!tpu.dma_semaphore, #tpu.memory_space<semaphore_mem>>) src(%arg15 : memref<32x128xf32, #tpu.memory_space<vmem>>) dst(%dma_wait3A_324 : memref<10240x128xf32, #tpu.memory_space<vmem_shared>>)
          tpu.yield
        }) : () -> ()
      }
      %scan3A_122 = arith.constant 25 : i32
    }
    %scan3A_100 = arith.constant 5 : i32
    %barrier3A_101 = arith.constant 0 : index
    tpu.barrier barrier_id(%barrier3A_101)
    %mul3A_102 = arith.constant 640 : i32
    %mul3A_103 = arith.muli %arg1, %mul3A_102 : i32
    %mul3A_104 = arith.constant 10240 : i32
    %mul3A_105 = arith.muli %arg0, %mul3A_104 : i32
    %mul3A_106 = arith.constant 640 : i32
    %mul3A_107 = arith.muli %arg1, %mul3A_106 : i32
    %add3A_108 = arith.addi %mul3A_105, %mul3A_107 : i32
    "tpu.region"() ({
      %run_scoped3A = tpu.sem_alloc : memref<!tpu.dma_semaphore, #tpu.memory_space<semaphore_mem>>
      %dma_start3A = arith.constant 0 : i32
      %dma_start3A_109 = tpu.memref_slice %arg5[%add3A_108, %dma_start3A] : memref<20480x128xf32, #tpu.memory_space<hbm>> -> memref<640x128xf32, #tpu.memory_space<hbm>>
      %dma_start3A_110 = arith.constant 0 : i32
      %dma_start3A_111 = tpu.memref_slice %arg20[%mul3A_103, %dma_start3A_110] : memref<10240x128xf32, #tpu.memory_space<vmem_shared>> -> memref<640x128xf32, #tpu.memory_space<vmem_shared>>
      tpu.enqueue_dma source(%dma_start3A_111 : memref<640x128xf32, #tpu.memory_space<vmem_shared>>) target(%dma_start3A_109 : memref<640x128xf32, #tpu.memory_space<hbm>>) target_semaphore(%run_scoped3A : memref<!tpu.dma_semaphore, #tpu.memory_space<semaphore_mem>>)
      %dma_wait3A = arith.constant 0 : i32
      %dma_wait3A_112 = tpu.memref_slice %arg5[%add3A_108, %dma_wait3A] : memref<20480x128xf32, #tpu.memory_space<hbm>> -> memref<640x128xf32, #tpu.memory_space<hbm>>
      %dma_wait3A_113 = arith.constant 0 : i32
      %dma_wait3A_114 = tpu.memref_slice %arg20[%mul3A_103, %dma_wait3A_113] : memref<10240x128xf32, #tpu.memory_space<vmem_shared>> -> memref<640x128xf32, #tpu.memory_space<vmem_shared>>
      tpu.wait_dma2 semaphore(%run_scoped3A : memref<!tpu.dma_semaphore, #tpu.memory_space<semaphore_mem>>) src(%dma_wait3A_114 : memref<640x128xf32, #tpu.memory_space<vmem_shared>>) dst(%dma_wait3A_112 : memref<640x128xf32, #tpu.memory_space<hbm>>)
      tpu.yield
    }) : () -> ()
    return
  }
}

module attributes {stable_mosaic.version = 14 : i64} {
  func.func @_tc_ab_body(%arg0: i32, %arg1: memref<2000x256xf32, #tpu.memory_space<vmem>>, %arg2: memref<528x256xf32, #tpu.memory_space<vmem>>, %arg3: memref<4x2000x128xf32, #tpu.memory_space<vmem>>) attributes {dimension_semantics = [#tpu.dimension_semantics<arbitrary>], iteration_bounds = array<i64: 5>, scalar_prefetch = 0 : i64, scratch_operands = 0 : i64, tpu.core_type = #tpu.core_type<tc>, window_params = [{transform_indices = @transform_0, window_bounds = array<i64: 2000, 256>}, {pipeline_mode = #tpu.pipeline_mode<synchronous>, transform_indices = @transform_1, window_bounds = array<i64: 528, 256>}, {transform_indices = @transform_2, window_bounds = array<i64: 4, 2000, 128>}]} {
    %get3A = arith.constant 0 : index
    %get3A_0 = arith.constant 0 : index
    %get3A_1 = vector.load %arg1[%get3A, %get3A_0] : memref<2000x256xf32, #tpu.memory_space<vmem>>, vector<2000x256xf32>
    %get3A_2 = arith.constant 0 : index
    %get3A_3 = arith.constant 0 : index
    %get3A_4 = vector.load %arg2[%get3A_2, %get3A_3] : memref<528x256xf32, #tpu.memory_space<vmem>>, vector<256x256xf32>
    %dot_general3A = arith.constant dense<0.000000e+00> : vector<2000x256xf32>
    %dot_general3A_5 = tpu.matmul %get3A_1, %get3A_4, %dot_general3A {dimension_numbers = #tpu.dot_dimension_numbers<[1], [0], [0], [1], [0, 0, 1, 1], [], []>, transpose_lhs_hint = false} : vector<2000x256xf32>, vector<256x256xf32>, vector<2000x256xf32> -> vector<2000x256xf32>
    %get3A_6 = arith.constant 256 : index
    %get3A_7 = arith.constant 0 : index
    %get3A_8 = vector.load %arg2[%get3A_6, %get3A_7] : memref<528x256xf32, #tpu.memory_space<vmem>>, vector<256x256xf32>
    %dot_general3A_9 = arith.constant dense<0.000000e+00> : vector<2000x256xf32>
    %dot_general3A_10 = tpu.matmul %get3A_1, %get3A_8, %dot_general3A_9 {dimension_numbers = #tpu.dot_dimension_numbers<[1], [0], [0], [1], [0, 0, 1, 1], [], []>, transpose_lhs_hint = false} : vector<2000x256xf32>, vector<256x256xf32>, vector<2000x256xf32> -> vector<2000x256xf32>
    %slice3A = vector.extract_strided_slice %dot_general3A_5 {offsets = [0, 0], sizes = [2000, 128], strides = [1, 1]} : vector<2000x256xf32> to vector<2000x128xf32>
    %swap3A = arith.constant 0 : index
    %swap3A_11 = arith.constant 0 : index
    %swap3A_12 = arith.constant 0 : index
    %swap3A_13 = vector.load %arg3[%swap3A, %swap3A_11, %swap3A_12] : memref<4x2000x128xf32, #tpu.memory_space<vmem>>, vector<1x2000x128xf32>
    %swap3A_14 = vector.shape_cast %swap3A_13 : vector<1x2000x128xf32> to vector<2000x128xf32>
    %swap3A_15 = vector.shape_cast %slice3A : vector<2000x128xf32> to vector<1x2000x128xf32>
    tpu.vector_store %arg3[%swap3A, %swap3A_11, %swap3A_12], %swap3A_15 {strides = array<i32>} : memref<4x2000x128xf32, #tpu.memory_space<vmem>>, vector<1x2000x128xf32>,
    %slice3A_16 = vector.extract_strided_slice %dot_general3A_5 {offsets = [0, 128], sizes = [2000, 128], strides = [1, 1]} : vector<2000x256xf32> to vector<2000x128xf32>
    %swap3A_17 = arith.constant 1 : index
    %swap3A_18 = arith.constant 0 : index
    %swap3A_19 = arith.constant 0 : index
    %swap3A_20 = vector.load %arg3[%swap3A_17, %swap3A_18, %swap3A_19] : memref<4x2000x128xf32, #tpu.memory_space<vmem>>, vector<1x2000x128xf32>
    %swap3A_21 = vector.shape_cast %swap3A_20 : vector<1x2000x128xf32> to vector<2000x128xf32>
    %swap3A_22 = vector.shape_cast %slice3A_16 : vector<2000x128xf32> to vector<1x2000x128xf32>
    tpu.vector_store %arg3[%swap3A_17, %swap3A_18, %swap3A_19], %swap3A_22 {strides = array<i32>} : memref<4x2000x128xf32, #tpu.memory_space<vmem>>, vector<1x2000x128xf32>,
    %slice3A_23 = vector.extract_strided_slice %dot_general3A_10 {offsets = [0, 0], sizes = [2000, 128], strides = [1, 1]} : vector<2000x256xf32> to vector<2000x128xf32>
    %swap3A_24 = arith.constant 2 : index
    %swap3A_25 = arith.constant 0 : index
    %swap3A_26 = arith.constant 0 : index
    %swap3A_27 = vector.load %arg3[%swap3A_24, %swap3A_25, %swap3A_26] : memref<4x2000x128xf32, #tpu.memory_space<vmem>>, vector<1x2000x128xf32>
    %swap3A_28 = vector.shape_cast %swap3A_27 : vector<1x2000x128xf32> to vector<2000x128xf32>
    %swap3A_29 = vector.shape_cast %slice3A_23 : vector<2000x128xf32> to vector<1x2000x128xf32>
    tpu.vector_store %arg3[%swap3A_24, %swap3A_25, %swap3A_26], %swap3A_29 {strides = array<i32>} : memref<4x2000x128xf32, #tpu.memory_space<vmem>>, vector<1x2000x128xf32>,
    %slice3A_30 = vector.extract_strided_slice %dot_general3A_10 {offsets = [0, 128], sizes = [2000, 128], strides = [1, 1]} : vector<2000x256xf32> to vector<2000x128xf32>
    %swap3A_31 = arith.constant 3 : index
    %swap3A_32 = arith.constant 0 : index
    %swap3A_33 = arith.constant 0 : index
    %swap3A_34 = vector.load %arg3[%swap3A_31, %swap3A_32, %swap3A_33] : memref<4x2000x128xf32, #tpu.memory_space<vmem>>, vector<1x2000x128xf32>
    %swap3A_35 = vector.shape_cast %swap3A_34 : vector<1x2000x128xf32> to vector<2000x128xf32>
    %swap3A_36 = vector.shape_cast %slice3A_30 : vector<2000x128xf32> to vector<1x2000x128xf32>
    tpu.vector_store %arg3[%swap3A_31, %swap3A_32, %swap3A_33], %swap3A_36 {strides = array<i32>} : memref<4x2000x128xf32, #tpu.memory_space<vmem>>, vector<1x2000x128xf32>,
    return
  }
  func.func @transform_0(%arg0: i32) -> (i32, i32) {
    %c0_i32 = arith.constant 0 : i32
    %c0_i32_0 = arith.constant 0 : i32
    return %arg0, %c0_i32 : i32, i32
  }
  func.func @transform_1(%arg0: i32) -> (i32, i32) {
    %c0_i32 = arith.constant 0 : i32
    %c0_i32_0 = arith.constant 0 : i32
    %c0_i32_1 = arith.constant 0 : i32
    return %c0_i32, %c0_i32_0 : i32, i32
  }
  func.func @transform_2(%arg0: i32) -> (i32, i32, i32) {
    %c0_i32 = arith.constant 0 : i32
    %c0_i32_0 = arith.constant 0 : i32
    %c0_i32_1 = arith.constant 0 : i32
    return %c0_i32, %arg0, %c0_i32_0 : i32, i32, i32
  }
}

module attributes {stable_mosaic.version = 14 : i64} {
  func.func @_tc_c_body(%arg0: i32, %arg1: memref<2000x16xf32, #tpu.memory_space<vmem>>, %arg2: memref<16x256xf32, #tpu.memory_space<vmem>>, %arg3: memref<1x256xf32, #tpu.memory_space<vmem>>, %arg4: memref<2x2000x128xf32, #tpu.memory_space<vmem>>) attributes {dimension_semantics = [#tpu.dimension_semantics<arbitrary>], iteration_bounds = array<i64: 80>, scalar_prefetch = 0 : i64, scratch_operands = 0 : i64, tpu.core_type = #tpu.core_type<tc>, window_params = [{transform_indices = @transform_0, window_bounds = array<i64: 2000, 16>}, {pipeline_mode = #tpu.pipeline_mode<synchronous>, transform_indices = @transform_1, window_bounds = array<i64: 16, 256>}, {pipeline_mode = #tpu.pipeline_mode<synchronous>, transform_indices = @transform_2, window_bounds = array<i64: 1, 256>}, {transform_indices = @transform_3, window_bounds = array<i64: 2, 2000, 128>}]} {
    %get3A = arith.constant 0 : index
    %get3A_0 = arith.constant 0 : index
    %get3A_1 = vector.load %arg1[%get3A, %get3A_0] : memref<2000x16xf32, #tpu.memory_space<vmem>>, vector<2000x16xf32>
    %get3A_2 = arith.constant 0 : index
    %get3A_3 = arith.constant 0 : index
    %get3A_4 = vector.load %arg2[%get3A_2, %get3A_3] : memref<16x256xf32, #tpu.memory_space<vmem>>, vector<16x256xf32>
    %dot_general3A = arith.constant dense<0.000000e+00> : vector<2000x256xf32>
    %dot_general3A_5 = tpu.matmul %get3A_1, %get3A_4, %dot_general3A {dimension_numbers = #tpu.dot_dimension_numbers<[1], [0], [0], [1], [0, 0, 1, 1], [], []>, transpose_lhs_hint = false} : vector<2000x16xf32>, vector<16x256xf32>, vector<2000x256xf32> -> vector<2000x256xf32>
    %get3A_6 = arith.constant 0 : index
    %get3A_7 = arith.constant 0 : index
    %get3A_8 = vector.load %arg3[%get3A_6, %get3A_7] : memref<1x256xf32, #tpu.memory_space<vmem>>, vector<1x256xf32>
    %add3A = vector.broadcast %get3A_8 : vector<1x256xf32> to vector<2000x256xf32>
    %add3A_9 = arith.addf %dot_general3A_5, %add3A : vector<2000x256xf32>
    %slice3A = vector.extract_strided_slice %add3A_9 {offsets = [0, 0], sizes = [2000, 128], strides = [1, 1]} : vector<2000x256xf32> to vector<2000x128xf32>
    %swap3A = arith.constant 0 : index
    %swap3A_10 = arith.constant 0 : index
    %swap3A_11 = arith.constant 0 : index
    %swap3A_12 = vector.load %arg4[%swap3A, %swap3A_10, %swap3A_11] : memref<2x2000x128xf32, #tpu.memory_space<vmem>>, vector<1x2000x128xf32>
    %swap3A_13 = vector.shape_cast %swap3A_12 : vector<1x2000x128xf32> to vector<2000x128xf32>
    %swap3A_14 = vector.shape_cast %slice3A : vector<2000x128xf32> to vector<1x2000x128xf32>
    tpu.vector_store %arg4[%swap3A, %swap3A_10, %swap3A_11], %swap3A_14 {strides = array<i32>} : memref<2x2000x128xf32, #tpu.memory_space<vmem>>, vector<1x2000x128xf32>,
    %slice3A_15 = vector.extract_strided_slice %add3A_9 {offsets = [0, 128], sizes = [2000, 128], strides = [1, 1]} : vector<2000x256xf32> to vector<2000x128xf32>
    %swap3A_16 = arith.constant 1 : index
    %swap3A_17 = arith.constant 0 : index
    %swap3A_18 = arith.constant 0 : index
    %swap3A_19 = vector.load %arg4[%swap3A_16, %swap3A_17, %swap3A_18] : memref<2x2000x128xf32, #tpu.memory_space<vmem>>, vector<1x2000x128xf32>
    %swap3A_20 = vector.shape_cast %swap3A_19 : vector<1x2000x128xf32> to vector<2000x128xf32>
    %swap3A_21 = vector.shape_cast %slice3A_15 : vector<2000x128xf32> to vector<1x2000x128xf32>
    tpu.vector_store %arg4[%swap3A_16, %swap3A_17, %swap3A_18], %swap3A_21 {strides = array<i32>} : memref<2x2000x128xf32, #tpu.memory_space<vmem>>, vector<1x2000x128xf32>,
    return
  }
  func.func @transform_0(%arg0: i32) -> (i32, i32) {
    %c0_i32 = arith.constant 0 : i32
    %c0_i32_0 = arith.constant 0 : i32
    return %arg0, %c0_i32 : i32, i32
  }
  func.func @transform_1(%arg0: i32) -> (i32, i32) {
    %c0_i32 = arith.constant 0 : i32
    %c0_i32_0 = arith.constant 0 : i32
    %c0_i32_1 = arith.constant 0 : i32
    return %c0_i32, %c0_i32_0 : i32, i32
  }
  func.func @transform_2(%arg0: i32) -> (i32, i32) {
    %c0_i32 = arith.constant 0 : i32
    %c0_i32_0 = arith.constant 0 : i32
    %c0_i32_1 = arith.constant 0 : i32
    return %c0_i32, %c0_i32_0 : i32, i32
  }
  func.func @transform_3(%arg0: i32) -> (i32, i32, i32) {
    %c0_i32 = arith.constant 0 : i32
    %c0_i32_0 = arith.constant 0 : i32
    %c0_i32_1 = arith.constant 0 : i32
    return %c0_i32, %arg0, %c0_i32_0 : i32, i32, i32
  }
}

module attributes {stable_mosaic.version = 14 : i64} {
  func.func @_tc_fin_body(%arg0: memref<10000x256xf32, #tpu.memory_space<vmem>>, %arg1: memref<20480x128xf32, #tpu.memory_space<vmem>>, %arg2: memref<512x256xf32, #tpu.memory_space<vmem>>, %arg3: memref<1x256xf32, #tpu.memory_space<vmem>>, %arg4: memref<256x256xf32, #tpu.memory_space<vmem>>, %arg5: memref<1x256xf32, #tpu.memory_space<vmem>>, %arg6: memref<256x1xf32, #tpu.memory_space<vmem>>, %arg7: memref<1x1xf32, #tpu.memory_space<vmem>>, %arg8: memref<1x1xf32, #tpu.memory_space<vmem>>) attributes {dimension_semantics = [], scalar_prefetch = 0 : i64, scratch_operands = 0 : i64, tpu.core_type = #tpu.core_type<tc>} {
    %get3A = arith.constant 0 : index
    %get3A_0 = arith.constant 0 : index
    %get3A_1 = vector.load %arg0[%get3A, %get3A_0] : memref<10000x256xf32, #tpu.memory_space<vmem>>, vector<10000x256xf32>
    %get3A_2 = arith.constant 0 : index
    %get3A_3 = arith.constant 0 : index
    %get3A_4 = vector.load %arg2[%get3A_2, %get3A_3] : memref<512x256xf32, #tpu.memory_space<vmem>>, vector<256x256xf32>
    %dot_general3A = arith.constant dense<0.000000e+00> : vector<10000x256xf32>
    %dot_general3A_5 = tpu.matmul %get3A_1, %get3A_4, %dot_general3A {dimension_numbers = #tpu.dot_dimension_numbers<[1], [0], [0], [1], [0, 0, 1, 1], [], []>, transpose_lhs_hint = false} : vector<10000x256xf32>, vector<256x256xf32>, vector<10000x256xf32> -> vector<10000x256xf32>
    %get3A_6 = arith.constant 0 : index
    %get3A_7 = arith.constant 0 : index
    %get3A_8 = vector.load %arg1[%get3A_6, %get3A_7] : memref<20480x128xf32, #tpu.memory_space<vmem>>, vector<10000x128xf32>
    %get3A_9 = arith.constant 256 : index
    %get3A_10 = arith.constant 0 : index
    %get3A_11 = vector.load %arg2[%get3A_9, %get3A_10] : memref<512x256xf32, #tpu.memory_space<vmem>>, vector<128x256xf32>
    %dot_general3A_12 = arith.constant dense<0.000000e+00> : vector<10000x256xf32>
    %dot_general3A_13 = tpu.matmul %get3A_8, %get3A_11, %dot_general3A_12 {dimension_numbers = #tpu.dot_dimension_numbers<[1], [0], [0], [1], [0, 0, 1, 1], [], []>, transpose_lhs_hint = false} : vector<10000x128xf32>, vector<128x256xf32>, vector<10000x256xf32> -> vector<10000x256xf32>
    %add3A = arith.addf %dot_general3A_5, %dot_general3A_13 : vector<10000x256xf32>
    %get3A_14 = arith.constant 10240 : index
    %get3A_15 = arith.constant 0 : index
    %get3A_16 = vector.load %arg1[%get3A_14, %get3A_15] : memref<20480x128xf32, #tpu.memory_space<vmem>>, vector<10000x128xf32>
    %get3A_17 = arith.constant 384 : index
    %get3A_18 = arith.constant 0 : index
    %get3A_19 = vector.load %arg2[%get3A_17, %get3A_18] : memref<512x256xf32, #tpu.memory_space<vmem>>, vector<128x256xf32>
    %dot_general3A_20 = arith.constant dense<0.000000e+00> : vector<10000x256xf32>
    %dot_general3A_21 = tpu.matmul %get3A_16, %get3A_19, %dot_general3A_20 {dimension_numbers = #tpu.dot_dimension_numbers<[1], [0], [0], [1], [0, 0, 1, 1], [], []>, transpose_lhs_hint = false} : vector<10000x128xf32>, vector<128x256xf32>, vector<10000x256xf32> -> vector<10000x256xf32>
    %add3A_22 = arith.addf %add3A, %dot_general3A_21 : vector<10000x256xf32>
    %get3A_23 = arith.constant 0 : index
    %get3A_24 = arith.constant 0 : index
    %get3A_25 = vector.load %arg3[%get3A_23, %get3A_24] : memref<1x256xf32, #tpu.memory_space<vmem>>, vector<1x256xf32>
    %add3A_26 = vector.broadcast %get3A_25 : vector<1x256xf32> to vector<10000x256xf32>
    %add3A_27 = arith.addf %add3A_22, %add3A_26 : vector<10000x256xf32>
    %max3A = arith.constant 0.000000e+00 : f32
    %max3A_28 = vector.broadcast %max3A : f32 to vector<10000x256xf32>
    %max3A_29 = arith.maximumf %add3A_27, %max3A_28 : vector<10000x256xf32>
    %reduce_sum3A = arith.constant dense<0.000000e+00> : vector<256xf32>
    %reduce_sum3A_30 = vector.multi_reduction <add>, %max3A_29, %reduce_sum3A [0] : vector<10000x256xf32> to vector<256xf32>
    %broadcast_in_dim3A = vector.shape_cast %reduce_sum3A_30 : vector<256xf32> to vector<1x256xf32>
    %div3A = arith.constant 1.000000e+04 : f32
    %div3A_31 = vector.broadcast %div3A : f32 to vector<1x256xf32>
    %div3A_32 = arith.divf %broadcast_in_dim3A, %div3A_31 : vector<1x256xf32>
    %get3A_33 = arith.constant 0 : index
    %get3A_34 = arith.constant 0 : index
    %get3A_35 = vector.load %arg4[%get3A_33, %get3A_34] : memref<256x256xf32, #tpu.memory_space<vmem>>, vector<256x256xf32>
    %dot_general3A_36 = arith.constant dense<0.000000e+00> : vector<1x256xf32>
    %dot_general3A_37 = tpu.matmul %div3A_32, %get3A_35, %dot_general3A_36 {dimension_numbers = #tpu.dot_dimension_numbers<[1], [0], [0], [1], [0, 0, 1, 1], [], []>, transpose_lhs_hint = false} : vector<1x256xf32>, vector<256x256xf32>, vector<1x256xf32> -> vector<1x256xf32>
    %get3A_38 = arith.constant 0 : index
    %get3A_39 = arith.constant 0 : index
    %get3A_40 = vector.load %arg5[%get3A_38, %get3A_39] : memref<1x256xf32, #tpu.memory_space<vmem>>, vector<1x256xf32>
    %add3A_41 = arith.addf %dot_general3A_37, %get3A_40 : vector<1x256xf32>
    %max3A_42 = arith.constant 0.000000e+00 : f32
    %max3A_43 = vector.broadcast %max3A_42 : f32 to vector<1x256xf32>
    %max3A_44 = arith.maximumf %add3A_41, %max3A_43 : vector<1x256xf32>
    %get3A_45 = arith.constant 0 : index
    %get3A_46 = arith.constant 0 : index
    %get3A_47 = vector.load %arg6[%get3A_45, %get3A_46] : memref<256x1xf32, #tpu.memory_space<vmem>>, vector<256x1xf32>
    %dot_general3A_48 = arith.constant dense<0.000000e+00> : vector<1x1xf32>
    %dot_general3A_49 = tpu.matmul %max3A_44, %get3A_47, %dot_general3A_48 {dimension_numbers = #tpu.dot_dimension_numbers<[1], [0], [0], [1], [0, 0, 1, 1], [], []>, transpose_lhs_hint = false} : vector<1x256xf32>, vector<256x1xf32>, vector<1x1xf32> -> vector<1x1xf32>
    %get3A_50 = arith.constant 0 : index
    %get3A_51 = arith.constant 0 : index
    %get3A_52 = vector.load %arg7[%get3A_50, %get3A_51] : memref<1x1xf32, #tpu.memory_space<vmem>>, vector<1x1xf32>
    %add3A_53 = arith.addf %dot_general3A_49, %get3A_52 : vector<1x1xf32>
    %swap3A = arith.constant 0 : index
    %swap3A_54 = arith.constant 0 : index
    %swap3A_55 = vector.load %arg8[%swap3A, %swap3A_54] : memref<1x1xf32, #tpu.memory_space<vmem>>, vector<1x1xf32>
    tpu.vector_store %arg8[%swap3A, %swap3A_54], %add3A_53 {strides = array<i32>} : memref<1x1xf32, #tpu.memory_space<vmem>>, vector<1x1xf32>,
    return
  }
}

</mosaic_0001>

<sc_bundles>
// kernel: kernel.6.cloned.1.call-start
scs
__scs_entry_jumppad:
0x0: {  	(pc) =	sbr.rel $0x88, $3  }
0x1: {  	(tag) =	ssettag $0x0;
	lr =	simm.s32 $0x1  }
0x2: {  	[smem:$0x3F96] =	sst lr;
	_ =	strace $0xD0000000  }
0x3: {  	_ = 	snop  }
0x4: {  	_ = 	snop  }
0x5: {  	_ = 	snop  }
0x6: {  	_ = 	snop  }
0x7: {  	_ = 	snop  }
__scs_overlays_trampoline_lowered:
0x8: {  	[smem:$0x3FA5] =	sst s0  }
0x9: {  	[smem:$0x3FA6] =	sst s1  }
0xa: {  	[smem:$0x3FA7] =	sst s2  }
0xb: {  	[smem:$0x3FA8] =	sst s3  }
0xc: {  	[smem:$0x3FA9] =	sst s4  }
0xd: {  	[smem:$0x3FAA] =	sst s5  }
0xe: {  	[smem:$0x3FAB] =	sst s6  }
0xf: {  	[smem:$0x3FAC] =	sst s7  }
0x10: {  	[smem:$0x3FAD] =	sst s8  }
0x11: {  	[smem:$0x3FAE] =	sst s9;
	s0 =	simm.s32 @!p0 $0x0  }
0x12: {  	s1 =	sld [smem:$0x3F94];
	s0 =	simm.s32 @p0 $0x1  }
0x13: {  	[smem:$0x3FAF] =	sst s0;
	s0 =	simm.s32 @!p1 $0x0  }
0x14: {  	s2 =	sld [smem:$0x3F93];
	s0 =	simm.s32 @p1 $0x1  }
0x15: {  	[smem:$0x3FB0] =	sst s0;
	s0 =	simm.s32 @!p2 $0x0  }
0x16: {  	s3 =	sld [smem:$0x3FDB];
	s0 =	simm.s32 @p2 $0x1  }
0x17: {  	s4 =	simm.s32 $0x1BF5;
	[smem:$0x3FB2] =	sst s0  }
0x18: {  	s0 =	sld [smem:$0x3F95];
	_ =	swait.ge [sflag:s4], $0x0  }
0x19: {  	s7 =	sld [smem:$0x3F96]  }
0x1a: {  	s8 =	sadd.s32 $0xFFFFE003, lr  }
0x1b: {  	s9 =	sadd.s32 $0xFFFFFEF7, lr;
	s5 =	simm.s32 $0xFFFFFFFF;
	p2 =	slt.u32 s8, $0xFFFFF086  }
0x1c: {  	p1 =	slt.u32 s9, $0xF7A;
	s5 =	simm.s32 @!p2 $0x0  }
0x1d: {  	s5 =	simm.s32 @p1 $0x1;
	p0 =	seq.s32 s7, s2  }
0x1e: {  	s7 =	smul.u32 @!p0 $0xF7A, s2;
	p2 =	seq.s32 @!p0 s5, $0x0  }
0x1f: {  	s9 =	smul.u32 $0xF7A, s1;
	s8 =	simm.s32 @!p0 $0x1BF5;
	p2 =	por !p2, p0  }
0x20: {  	[sflag:s8] =	ssyncset.s32 @!p0 $0xFFFFF086;
	s6 =	sadd.s32 @!p0 s3, s7;
	s7 =	simm.s32 @!p0 $0x108  }
0x21: {  	s3 =	sadd.s32 s3, s9;
	s6 =	sadd.s32 @!p0 $0x88, s6;
	s7 =	simm.s32 @p2 $0x1082  }
0x22: {  	[simem:s7], [sflag:s8] =	dma.local @!p0 [hbm:s6], $0xF7A  }
0x23: {  	s9 =	sor.u32 $0xD0000000, s2;
	s6 =	simm.s32 $0x108;
	_ =	swait.ge @!p0 [sflag:s8], $0x0  }
0x24: {  	s3 =	sadd.s32 $0x88, s3;
	s6 =	simm.s32 @!p1 $0x1082;
	[sflag:s4] =	ssyncset.s32 $0xFFFFF086  }
0x25: {  	[simem:s6], [sflag:s4] =	dma.local [hbm:s3], $0xF7A  }
0x26: {  	[smem:$0x3F96] =	sst s1;
	(tag) =	ssettag s2;
	_ =	strace s9  }
0x27: {  	s1 =	sld [smem:$0x3FA6]  }
0x28: {  	s2 =	sld [smem:$0x3FA7]  }
0x29: {  	s4 =	sld [smem:$0x3FA9]  }
0x2a: {  	p0 =	seq.s32 s5, $0x0;
	s5 =	sld [smem:$0x3FAA]  }
0x2b: {  	s6 =	sld [smem:$0x3FAB]  }
0x2c: {  	s7 =	sld [smem:$0x3FAC]  }
0x2d: {  	s3 =	simm.s32 $0x108;
	s8 =	sld [smem:$0x3FAD]  }
0x2e: {  	s3 =	simm.s32 @!p0 $0x1082;
	s9 =	sld [smem:$0x3FAE]  }
0x2f: {  	lr =	sadd.s32 s0, s3;
	s0 =	sld [smem:$0x3FA5]  }
0x30: {  	s3 =	sld [smem:$0x3FA8]  }
0x31: {  	[smem:$0x3FB1] =	sst s10  }
0x32: {  	s10 =	sld [smem:$0x3FAF];
	_ =	sdelay $0x3  }
0x33: {  	p0 =	seq.s32 s10, $0x1;
	s10 =	sld [smem:$0x3FB1];
	_ =	sdelay $0x3  }
0x34: {  	[smem:$0x3FB1] =	sst s10  }
0x35: {  	s10 =	sld [smem:$0x3FB0];
	_ =	sdelay $0x3  }
0x36: {  	p1 =	seq.s32 s10, $0x1;
	s10 =	sld [smem:$0x3FB1];
	_ =	sdelay $0x3  }
0x37: {  	[smem:$0x3FB1] =	sst s10  }
0x38: {  	s10 =	sld [smem:$0x3FB2]  }
0x39: {  	_ = 	snop;
	(pc) =	sbr.ind lr, $3  }
0x3a: {  	_ = 	snop  }
0x3b: {  	_ = 	snop  }
0x3c: {  	p2 =	seq.s32 s10, $0x1;
	s10 =	sld [smem:$0x3FB1]  }
0x3d: {  	_ =	shalt  }
0x3e: {  	_ =	shalt  }
0x3f: {  	_ =	shalt  }
0x40: {  	_ =	shalt  }
0x41: {  	_ =	shalt  }
0x42: {  	_ =	shalt  }
0x43: {  	_ =	shalt  }
0x44: {  	_ =	shalt  }
0x45: {  	_ =	shalt  }
0x46: {  	_ =	shalt  }
0x47: {  	_ =	shalt  }
0x48: {  	_ =	shalt  }
0x49: {  	_ =	shalt  }
0x4a: {  	_ =	shalt  }
0x4b: {  	_ =	shalt  }
0x4c: {  	_ =	shalt  }
0x4d: {  	_ =	shalt  }
0x4e: {  	_ =	shalt  }
0x4f: {  	_ =	shalt  }
0x50: {  	_ =	shalt  }
0x51: {  	_ =	shalt  }
0x52: {  	_ =	shalt  }
0x53: {  	_ =	shalt  }
0x54: {  	_ =	shalt  }
0x55: {  	_ =	shalt  }
0x56: {  	_ =	shalt  }
0x57: {  	_ =	shalt  }
0x58: {  	_ =	shalt  }
0x59: {  	_ =	shalt  }
0x5a: {  	_ =	shalt  }
0x5b: {  	_ =	shalt  }
0x5c: {  	_ =	shalt  }
0x5d: {  	_ =	shalt  }
0x5e: {  	_ =	shalt  }
0x5f: {  	_ =	shalt  }
0x60: {  	_ =	shalt  }
0x61: {  	_ =	shalt  }
0x62: {  	_ =	shalt  }
0x63: {  	_ =	shalt  }
0x64: {  	_ =	shalt  }
0x65: {  	_ =	shalt  }
0x66: {  	_ =	shalt  }
0x67: {  	_ =	shalt  }
0x68: {  	_ =	shalt  }
0x69: {  	_ =	shalt  }
0x6a: {  	_ =	shalt  }
0x6b: {  	_ =	shalt  }
0x6c: {  	_ =	shalt  }
0x6d: {  	_ =	shalt  }
0x6e: {  	_ =	shalt  }
0x6f: {  	_ =	shalt  }
0x70: {  	_ =	shalt  }
0x71: {  	_ =	shalt  }
0x72: {  	_ =	shalt  }
0x73: {  	_ =	shalt  }
0x74: {  	_ =	shalt  }
0x75: {  	_ =	shalt  }
0x76: {  	_ =	shalt  }
0x77: {  	_ =	shalt  }
0x78: {  	_ =	shalt  }
0x79: {  	_ =	shalt  }
0x7a: {  	_ =	shalt  }
0x7b: {  	_ =	shalt  }
0x7c: {  	_ =	shalt  }
0x7d: {  	_ =	shalt  }
0x7e: {  	_ =	shalt  }
0x7f: {  	_ =	shalt  }
0x80: {  	_ =	shalt  }
0x81: {  	_ =	shalt  }
0x82: {  	_ =	shalt  }
0x83: {  	_ =	shalt  }
0x84: {  	_ =	shalt  }
0x85: {  	_ =	shalt  }
0x86: {  	_ =	shalt  }
0x87: {  	_ =	shalt  }
.Lfunc_end0:
.L_simem_size_0:
called_computation_lowered:
.L_overlay_start_0:
0x88: {  	s2 =	sld [smem:$0x3FD9]  }
0x89: {  	s3 =	sld [smem:$0x3FFE];
	_ =	sdelay $0x1  }
0x8a: {  	s1 =	srdreg.scid  }
0x8b: {  	s0 =	sand.u32 $0x1, s1  }
0x8c: {  	s16 =	sshll.u32 s0, $0xA;
	s2 =	sadd.s32 s3, s2  }
0x8d: {  	s2 =	sadd.s32 s2, s16  }
0x8e: {  	[smem:$0x3FBD] =	sst s2  }
0x8f: {  	_ = 	snop  }
0x90: {  	(tm) =	ssettm $0x1  }
0x91: {  	s17 =	sld [smem:$0x3FFB];
	_ =	sdelay $0x3  }
0x92: {  	_ =	strace s17  }
0x93: {  	s2 =	sld [smem:$0x3FFC];
	_ =	sdelay $0x3  }
0x94: {  	_ =	strace s2  }
0x95: {  	s2 =	sld [smem:$0x3FFD];
	_ =	sdelay $0x3  }
0x96: {  	_ =	strace s2  }
0x97: {  	_ =	strace $0x8FFFFFFF  }
0x98: {  	s18 =	sld [smem:$0x3FDB];
	_ =	sdelay $0x1  }
0x99: {  	s19 =	simm.s32 $_scs_section_size  }
0x9a: {  	s4 =	simm.s32 $_size__tile_overlayer_lowered;
	s5 =	simm.s32 $_tile_overlayer_lowered  }
0x9b: {  	s22 =	simm.s32 $0x1BFF;
	s21 =	sshll.u32 s5, $0x1;
	s2 =	sadd.s32 s19, s18  }
0x9c: {  	s6 =	simm.s32 $0x0;
	s20 =	sshll.u32 s4, $0x1;
	s4 =	sadd.s32 s21, s2  }
0x9d: {  	[timem:s6], [sflag:s22] =	dma.local [hbm:s4], s20  }
0x9e: {  	_ =	swait.ge [sflag:s22], s20  }
0x9f: {  	s3 =	ssub.s32 $0x0, s20;
	[sflag:s22] =	ssyncset.done $0x0  }
0xa0: {  	[sflag:s22] =	ssyncadd.s32 s3;
	_ =	sdelay $0x1  }
0xa1: {  	s23 =	simm.s32 $0x1B8B  }
0xa2: {  	_ =	swait.ge [sflag:s23], $0x1  }
0xa3: {  	[sflag:s23] =	ssyncset.done $0x0  }
0xa4: {  	s25 =	simm.s32 $0x1B8E;
	s24 =	sld [smem:$0x3FFE];
	[sflag:s23] =	ssyncadd.s32 $0xFFFFFFFF  }
0xa5: {  	s26 =	simm.s32 $execute0_lowered;
	[smem:$0x3FD2] =	sst s25  }
0xa6: {  	s4 =	sshll.u32 s26, $0x1;
	_ =	strace $0x80000046;
	[dreg:$0x1] =	wrdreg $0xFFFFFFFF  }
0xa7: {  	s28 =	simm.s32 $_size_execute0_lowered;
	s2 =	sadd.s32 s2, s4;
	[dreg:$0x0] =	wrdreg $0x0  }
0xa8: {  	s4 =	sshll.u32 s28, $0x1;
	[dreg:$0x2] =	wrdreg s2  }
0xa9: {  	[dreg:$0x3] =	wrdreg s4  }
0xaa: {  	[dreg:$0x4] =	wrdreg $0xC0  }
0xab: {  	_ =	task [dreg:s6], $0x5FFFF  }
0xac: {  	[dreg:$0x1] =	wrdreg $0xFFFFFFFF  }
0xad: {  	[dreg:$0x0] =	wrdreg $0x60  }
0xae: {  	[dreg:$0x2] =	wrdreg s24  }
0xaf: {  	[dreg:$0x3] =	wrdreg $0x8B000  }
0xb0: {  	[dreg:$0x4] =	wrdreg $0x9  }
0xb1: {  	_ =	task.clear_ibuf [dreg:s6], $0x5FFFF;
	_ =	strace $0x90000046  }
0xb2: {  	s29 =	simm.s32 $0x9;
	_ =	strace $0x80000048  }
0xb3: {  	_ =	swait.ge [sflag:s29], $0x1  }
0xb4: {  	[sflag:s29] =	ssyncadd.s32 $0xFFFFFFFF  }
0xb5: {  	_ =	strace $0x90000048  }
0xb6: {  	_ =	sfence  }
0xb7: {  	s30 =	sld [smem:$0x0];
	_ =	sdelay $0x2  }
0xb8: {  	s31 =	sshll.u32 s1, $0xD;
	s1 =	sshrl.u32 s1, $0x2  }
0xb9: {  	s3 =	sand.u32 $0x4000, s31;
	s1 =	sadd.s32 s1, s30  }
0xba: {  	s0 =	sor.u32 s3, s0;
	s1 =	sshll.u32 s1, $0x11  }
0xbb: {  	s0 =	sor.u32 s1, s0  }
0xbc: {  	s0 =	sadd.s32 $0x8F2B, s0  }
0xbd: {  	[sflag:s0] =	ssyncadd.remote.s32 $0x1  }
0xbe: {  	_ =	sfence.sel $0xFFFF  }
0xbf: {  	[dreg:$0x0] =	wrdreg $0xFFFFFFFF;
	(pc) =	sbr.abs _section_cstart, $3  }
0xc0: {  	[dreg:$0x1] =	wrdreg $0xFFFFFFFF  }
0xc1: {  	_ =	task.clear_ibuf [dreg:s6], $0x2FFFF;
	_ =	strace $0x9FFFFFFF  }
0xc2: {  	(tm) =	ssettm $0x7FFFFFFF  }
0xc3: {  	_ =	shalt  }
tec
execute0_lowered:
.L_overlay_start_1:
0x0: {  	(tag) =	ssettag $0x1  }
0x1: {  	s0 =	rddreg [dreg:$0x0]  }
0x2: {  	s2 =	rddreg [dreg:$0x1];
	s10 =	stileid.u32  }
0x3: {  	s23 =	simm.s32 $0x0;
	s1 =	srdreg.scid;
	s7 =	smul.u32 $0x50000, s10  }
0x4: {  	s29 =	simm.s32 $0x1300;
	s30 =	simm.s32 $0x3;
	s31 =	simm.s32 $0x2B00  }
0x5: {  	[smem:$0x7FF] =	sst s23;
	s3 =	smul.u32 $0x2800, s10;
	s7 =	sshrl.u32 s7, $0x2  }
0x6: {  	s4 =	sadd.s32 $0x272A00, s0;
	s1 =	sand.u32 $0x1, s1;
	s24 =	sadd.s32 s7, s2  }
0x7: {  	_ =	strace $0x80000047;
	s19 =	sadd.s32 $0x1800, s24;
	[dreg:$0x4] =	wrdreg s24  }
0x8: {  	s5 =	sadd.s32 $0x318C00, s0;
	s20 =	sadd.s32 $0x2800, s24;
	[dreg:$0x5] =	wrdreg s19  }
0x9: {  	s6 =	sadd.s32 $0x30EE00, s0;
	s21 =	sadd.s32 $0x4000, s24;
	[dreg:$0x6] =	wrdreg s20  }
0xa: {  	s28 =	smul.u32 $0x2710, s10;
	s22 =	sadd.s32 $0x5000, s24;
	[dreg:$0x7] =	wrdreg s21  }
0xb: {  	s9 =	ssub.s32 $0x2, s1;
	s25 =	sadd.s32 $0x6800, s24;
	[dreg:$0x8] =	wrdreg s22  }
0xc: {  	s18 =	sshrl.u32 s9, $0x1;
	s26 =	sadd.s32 $0x7800, s24;
	[dreg:$0x9] =	wrdreg s25  }
0xd: {  	s7 =	ssub.s32 s9, s18;
	s9 =	sadd.s32 $0x9000, s24;
	[dreg:$0xa] =	wrdreg s26  }
0xe: {  	s8 =	smul.u32 $0x28000, s1;
	s11 =	sadd.s32 $0xA000, s24;
	[dreg:$0xb] =	wrdreg s9  }
0xf: {  	s10 =	simm.s32 $0x3B00;
	s12 =	sadd.s32 $0xB800, s24;
	[dreg:$0xc] =	wrdreg s11  }
0x10: {  	s3 =	sadd.s32 s3, s8;
	s13 =	sadd.s32 $0xC800, s24;
	[dreg:$0xd] =	wrdreg s12  }
0x11: {  	s18 =	smul.u32 $0x2710, s1;
	s14 =	sadd.s32 $0xE000, s24;
	[dreg:$0xe] =	wrdreg s13  }
0x12: {  	s8 =	simm.s32 $0x1000;
	s15 =	sadd.s32 $0xF000, s24;
	[dreg:$0xf] =	wrdreg s14  }
0x13: {  	s3 =	sadd.s32 s3, s0;
	s16 =	sadd.s32 $0x10800, s24;
	[dreg:$0x10] =	wrdreg s15  }
0x14: {  	[dreg:$0x11] =	wrdreg s16;
	s21 =	smul.u32 $0x27100, s1;
	s22 =	sadd.s32 $0x318F00, s0  }
0x15: {  	s17 =	sadd.s32 $0x1A00, s3;
	s19 =	smax.u32 s7, $0x1;
	s20 =	sadd.s32 $0x11800, s24  }
0x16: {  	s25 =	sadd.s32 $0x13000, s24;
	s26 =	sadd.s32 $0x4E20, s18;
	s1 =	simm.s32 $0x30  }
0x17: {  	s9 =	simm.s32 $0x1100;
	s11 =	simm.s32 $0x6300;
	[dreg:$0x12] =	wrdreg s17  }
0x18: {  	s12 =	simm.s32 $0x20;
	s13 =	simm.s32 $0x1080;
	[dreg:$0x13] =	wrdreg s19  }
0x19: {  	s14 =	simm.s32 $0x1180;
	s15 =	simm.s32 $0x5300;
	[dreg:$0x14] =	wrdreg s20  }
0x1a: {  	s16 =	simm.s32 $0x7B00;
	v0 =	vmov s18;
	s18 =	simm.s32 $0x1200;
	[dreg:$0x15] =	wrdreg s25  }
0x1b: {  	v2 =	vimm.f32 $0.0e+00;
	s17 =	simm.s32 $0x1;
	v1 =	vmov s26;
	s19 =	simm.s32 $0x2;
	s20 =	simm.s32 $0x1280  }
.LBB2_1:
0x1c: {  	s3 =	simm.s32 $0x0;
	s7 =	simm.s32 $0x200  }
.LBB2_2:
0x1d: {  	p0 =	sne.s32 s7, $0x5E00;
	[tilespmem:s3+$0x1370] =	vst v2  }
0x1e: {  	[tilespmem:s3+$0x1300] =	vst v2  }
0x1f: {  	[tilespmem:s3+$0x1310] =	vst v2  }
.Ltmp0:
0x20: {  	[tilespmem:s3+$0x1320] =	vst v2;
	(pc) =	sbr.rel @p0 .LBB2_2-.Ltmp0, $4  }
0x21: {  	[tilespmem:s3+$0x1330] =	vst v2  }
0x22: {  	[tilespmem:s3+$0x1340] =	vst v2  }
0x23: {  	[tilespmem:s3+$0x1350] =	vst v2  }
0x24: {  	[tilespmem:s3+$0x1360] =	vst v2;
	s3 =	sshra.s32 s7, $0x2;
	s7 =	sadd.s32 $0x200, s7  }
0x25: {  	[tilespmem:s3+$0x1370] =	vst v2  }
0x26: {  	[tilespmem:s3+$0x1300] =	vst v2  }
0x27: {  	[tilespmem:s3+$0x1310] =	vst v2  }
0x28: {  	[tilespmem:s3+$0x1320] =	vst v2  }
0x29: {  	[tilespmem:s3+$0x1330] =	vst v2  }
0x2a: {  	[tilespmem:s3+$0x1340] =	vst v2  }
0x2b: {  	[tilespmem:s3+$0x1350] =	vst v2  }
0x2c: {  	[dreg:$0x3] =	wrdreg s23;
	[tilespmem:s3+$0x1360] =	vst v2;
	s3 =	simm.s32 $0x0;
	s7 =	simm.s32 $0x200  }
.LBB2_4:
0x2d: {  	p0 =	sne.s32 s7, $0x3E00;
	[tilespmem:s3+$0x2B70] =	vst v2  }
0x2e: {  	[tilespmem:s3+$0x2B00] =	vst v2  }
0x2f: {  	[tilespmem:s3+$0x2B10] =	vst v2  }
.Ltmp1:
0x30: {  	[tilespmem:s3+$0x2B20] =	vst v2;
	(pc) =	sbr.rel @p0 .LBB2_4-.Ltmp1, $4  }
0x31: {  	[tilespmem:s3+$0x2B30] =	vst v2  }
0x32: {  	[tilespmem:s3+$0x2B40] =	vst v2  }
0x33: {  	[tilespmem:s3+$0x2B50] =	vst v2  }
0x34: {  	[tilespmem:s3+$0x2B60] =	vst v2;
	s3 =	sshra.s32 s7, $0x2;
	s7 =	sadd.s32 $0x200, s7  }
0x35: {  	[tilespmem:s3+$0x2B70] =	vst v2  }
0x36: {  	[tilespmem:s3+$0x2B00] =	vst v2  }
0x37: {  	[tilespmem:s3+$0x2B10] =	vst v2  }
0x38: {  	[tilespmem:s3+$0x2B20] =	vst v2  }
0x39: {  	[tilespmem:s3+$0x2B30] =	vst v2  }
0x3a: {  	[tilespmem:s3+$0x2B40] =	vst v2  }
0x3b: {  	[tilespmem:s3+$0x2B50] =	vst v2  }
0x3c: {  	[tilespmem:s3+$0x2B60] =	vst v2  }
0x3d: {  	[spmem:s24] =	stream.linear.scatter [tilespmem:s29], [sflag:$0x3], $0x1800, $0x38;
	[tilespmem:$0x1CB00] =	vst v63  }
0x3e: {  	_ =	swait.ge [sflag:s30], $0x1800  }
0x3f: {  	[sflag:s30] =	ssyncset.done $0x0  }
0x40: {  	s0 =	rddreg [dreg:$0x5];
	[sflag:s30] =	ssyncadd.s32 $0xFFFFE800  }
0x41: {  	[spmem:s0] =	stream.linear.scatter [tilespmem:s31], [sflag:$0x3], $0x1000, $0x38;
	[tilespmem:$0x1CB00] =	vst v63  }
0x42: {  	_ =	swait.ge [sflag:s30], $0x1000  }
0x43: {  	[sflag:s30] =	ssyncset.done $0x0  }
0x44: {  	s25 =	rddreg [dreg:$0x6];
	[sflag:s30] =	ssyncadd.s32 $0xFFFFF000  }
0x45: {  	[spmem:s25] =	stream.linear.scatter [tilespmem:s29], [sflag:$0x3], $0x1800, $0x38;
	[tilespmem:$0x1CB00] =	vst v63  }
0x46: {  	_ =	swait.ge [sflag:s30], $0x1800  }
0x47: {  	[sflag:s30] =	ssyncset.done $0x0  }
0x48: {  	s26 =	rddreg [dreg:$0x7];
	[sflag:s30] =	ssyncadd.s32 $0xFFFFE800  }
0x49: {  	[spmem:s26] =	stream.linear.scatter [tilespmem:s31], [sflag:$0x3], $0x1000, $0x38;
	[tilespmem:$0x1CB00] =	vst v63  }
0x4a: {  	_ =	swait.ge [sflag:s30], $0x1000  }
0x4b: {  	[sflag:s30] =	ssyncset.done $0x0  }
0x4c: {  	s3 =	rddreg [dreg:$0x8];
	[sflag:s30] =	ssyncadd.s32 $0xFFFFF000  }
0x4d: {  	[spmem:s3] =	stream.linear.scatter [tilespmem:s29], [sflag:$0x3], $0x1800, $0x38;
	[tilespmem:$0x1CB00] =	vst v63  }
0x4e: {  	_ =	swait.ge [sflag:s30], $0x1800  }
0x4f: {  	[sflag:s30] =	ssyncset.done $0x0  }
0x50: {  	s7 =	rddreg [dreg:$0x9];
	[sflag:s30] =	ssyncadd.s32 $0xFFFFE800  }
0x51: {  	[spmem:s7] =	stream.linear.scatter [tilespmem:s31], [sflag:$0x3], $0x1000, $0x38;
	[tilespmem:$0x1CB00] =	vst v63  }
0x52: {  	_ =	swait.ge [sflag:s30], $0x1000  }
0x53: {  	[sflag:s30] =	ssyncset.done $0x0  }
0x54: {  	s23 =	rddreg [dreg:$0xa];
	[sflag:s30] =	ssyncadd.s32 $0xFFFFF000  }
0x55: {  	[spmem:s23] =	stream.linear.scatter [tilespmem:s29], [sflag:$0x3], $0x1800, $0x38;
	[tilespmem:$0x1CB00] =	vst v63  }
0x56: {  	_ =	swait.ge [sflag:s30], $0x1800  }
0x57: {  	[sflag:s30] =	ssyncset.done $0x0  }
0x58: {  	s24 =	rddreg [dreg:$0xb];
	[sflag:s30] =	ssyncadd.s32 $0xFFFFE800  }
0x59: {  	[spmem:s24] =	stream.linear.scatter [tilespmem:s31], [sflag:$0x3], $0x1000, $0x38;
	[tilespmem:$0x1CB00] =	vst v63  }
0x5a: {  	_ =	swait.ge [sflag:s30], $0x1000  }
0x5b: {  	[sflag:s30] =	ssyncset.done $0x0  }
0x5c: {  	s25 =	rddreg [dreg:$0xc];
	[sflag:s30] =	ssyncadd.s32 $0xFFFFF000  }
0x5d: {  	[spmem:s25] =	stream.linear.scatter [tilespmem:s29], [sflag:$0x3], $0x1800, $0x38;
	[tilespmem:$0x1CB00] =	vst v63  }
0x5e: {  	_ =	swait.ge [sflag:s30], $0x1800  }
0x5f: {  	[sflag:s30] =	ssyncset.done $0x0  }
0x60: {  	s26 =	rddreg [dreg:$0xd];
	[sflag:s30] =	ssyncadd.s32 $0xFFFFE800  }
0x61: {  	[spmem:s26] =	stream.linear.scatter [tilespmem:s31], [sflag:$0x3], $0x1000, $0x38;
	[tilespmem:$0x1CB00] =	vst v63  }
0x62: {  	_ =	swait.ge [sflag:s30], $0x1000  }
0x63: {  	[sflag:s30] =	ssyncset.done $0x0  }
0x64: {  	s3 =	rddreg [dreg:$0xe];
	[sflag:s30] =	ssyncadd.s32 $0xFFFFF000  }
0x65: {  	[spmem:s3] =	stream.linear.scatter [tilespmem:s29], [sflag:$0x3], $0x1800, $0x38;
	[tilespmem:$0x1CB00] =	vst v63  }
0x66: {  	_ =	swait.ge [sflag:s30], $0x1800  }
0x67: {  	[sflag:s30] =	ssyncset.done $0x0  }
0x68: {  	s7 =	rddreg [dreg:$0xf];
	[sflag:s30] =	ssyncadd.s32 $0xFFFFE800  }
0x69: {  	[spmem:s7] =	stream.linear.scatter [tilespmem:s31], [sflag:$0x3], $0x1000, $0x38;
	[tilespmem:$0x1CB00] =	vst v63  }
0x6a: {  	_ =	swait.ge [sflag:s30], $0x1000  }
0x6b: {  	[sflag:s30] =	ssyncset.done $0x0  }
0x6c: {  	s23 =	rddreg [dreg:$0x10];
	[sflag:s30] =	ssyncadd.s32 $0xFFFFF000  }
0x6d: {  	[spmem:s23] =	stream.linear.scatter [tilespmem:s29], [sflag:$0x3], $0x1800, $0x38;
	[tilespmem:$0x1CB00] =	vst v63  }
0x6e: {  	_ =	swait.ge [sflag:s30], $0x1800  }
0x6f: {  	[sflag:s30] =	ssyncset.done $0x0  }
0x70: {  	s24 =	rddreg [dreg:$0x11];
	[sflag:s30] =	ssyncadd.s32 $0xFFFFE800  }
0x71: {  	[spmem:s24] =	stream.linear.scatter [tilespmem:s31], [sflag:$0x3], $0x1000, $0x38;
	[tilespmem:$0x1CB00] =	vst v63  }
0x72: {  	_ =	swait.ge [sflag:s30], $0x1000  }
0x73: {  	[sflag:s30] =	ssyncset.done $0x0  }
0x74: {  	s25 =	rddreg [dreg:$0x14];
	[sflag:s30] =	ssyncadd.s32 $0xFFFFF000  }
0x75: {  	[spmem:s25] =	stream.linear.scatter [tilespmem:s29], [sflag:$0x3], $0x1800, $0x38;
	[tilespmem:$0x1CB00] =	vst v63  }
0x76: {  	_ =	swait.ge [sflag:s30], $0x1800  }
0x77: {  	[sflag:s30] =	ssyncset.done $0x0  }
0x78: {  	s26 =	rddreg [dreg:$0x15];
	[sflag:s30] =	ssyncadd.s32 $0xFFFFE800  }
0x79: {  	[spmem:s26] =	stream.linear.scatter [tilespmem:s31], [sflag:$0x3], $0x1000, $0x38;
	[tilespmem:$0x1CB00] =	vst v63  }
0x7a: {  	_ =	swait.ge [sflag:s30], $0x1000  }
0x7b: {  	[sflag:s30] =	ssyncset.done $0x0  }
0x7c: {  	[sflag:s30] =	ssyncadd.s32 $0xFFFFF000  }
0x7d: {  	s23 =	simm.s32 $0x0;
	s24 =	simm.s32 $0x0;
	[bflag:$0x0] =	sbarrier.arrive $0xFFFF  }
.LBB2_6:
0x7e: {  	s3 =	smul.u32 $0x7D0, s24;
	_ =	sdelay $0x1  }
0x7f: {  	s3 =	sadd.s32 s28, s3  }
0x80: {  	s7 =	sshrl.u32 s3, $0x3  }
0x81: {  	s7 =	sadd.s32 s6, s7  }
0x82: {  	[tilespmem:s23], [sflag:$0x3] =	stream.linear.gather [hbm4b:s7+s23], $0x7D0, $0x38;
	[tilespmem:$0x1CB00] =	vst v63  }
0x83: {  	_ =	swait.ge [sflag:s30], $0x7D0  }
0x84: {  	[sflag:s30] =	ssyncset.done $0x0  }
0x85: {  	s0 =	simm.s32 $0x800;
	s7 =	sadd.s32 $0x4E20, s7;
	[sflag:s30] =	ssyncadd.s32 $0xFFFFF830  }
0x86: {  	[tilespmem:s0], [sflag:$0x3] =	stream.linear.gather [hbm4b:s7+s23], $0x7D0, $0x38;
	[tilespmem:$0x1CB00] =	vst v63  }
0x87: {  	_ =	swait.ge [sflag:s30], $0x7D0  }
0x88: {  	[sflag:s30] =	ssyncset.done $0x0  }
0x89: {  	s26 =	simm.s32 $0x0;
	s25 =	sadd.s32 s21, s3;
	[sflag:s30] =	ssyncadd.s32 $0xFFFFF830  }
.LBB2_7:
0x8a: {  	s3 =	smul.u32 $0x50, s26;
	_ =	sdelay $0x1  }
0x8b: {  	v3 =	vld [tilespmem:s3+$0x0]  }
0x8c: {  	v4 =	vld [tilespmem:s3+$0x800];
	_ =	sdelay $0x4  }
0x8d: {  	v3 =	vadd.s32 v0, v3;
	[tilespmem:$0x1200] =	vst v4  }
0x8e: {  	[tilespmem:$0x1000] =	vst v3;
	v3 =	vadd.s32 v1, v4  }
0x8f: {  	[tilespmem:$0x1100] =	vst v3  }
0x90: {  	v3 =	vld [tilespmem:s3+$0x10]  }
0x91: {  	v4 =	vld [tilespmem:s3+$0x810];
	_ =	sdelay $0x4  }
0x92: {  	v3 =	vadd.s32 v0, v3;
	[tilespmem:$0x1210] =	vst v4  }
0x93: {  	[tilespmem:$0x1010] =	vst v3;
	v3 =	vadd.s32 v1, v4  }
0x94: {  	[tilespmem:$0x1110] =	vst v3  }
0x95: {  	v3 =	vld [tilespmem:s3+$0x20]  }
0x96: {  	v4 =	vld [tilespmem:s3+$0x820];
	_ =	sdelay $0x4  }
0x97: {  	v3 =	vadd.s32 v0, v3;
	[tilespmem:$0x1220] =	vst v4  }
0x98: {  	[tilespmem:$0x1020] =	vst v3;
	v3 =	vadd.s32 v1, v4  }
0x99: {  	[tilespmem:$0x1120] =	vst v3  }
0x9a: {  	v3 =	vld [tilespmem:s3+$0x30]  }
0x9b: {  	v4 =	vld [tilespmem:s3+$0x830];
	_ =	sdelay $0x4  }
0x9c: {  	v3 =	vadd.s32 v0, v3;
	[tilespmem:$0x1280] =	vst v4  }
0x9d: {  	[tilespmem:$0x1080] =	vst v3;
	v3 =	vadd.s32 v1, v4  }
0x9e: {  	[tilespmem:$0x1180] =	vst v3  }
0x9f: {  	v3 =	vld [tilespmem:s3+$0x40]  }
0xa0: {  	v4 =	vld [tilespmem:s3+$0x840];
	_ =	sdelay $0x4  }
0xa1: {  	v3 =	vadd.s32 v0, v3;
	[tilespmem:$0x1290] =	vst v4  }
0xa2: {  	[tilespmem:$0x1090] =	vst v3;
	v3 =	vadd.s32 v1, v4  }
0xa3: {  	s3 =	sadd.s32 s3, s25;
	[tilespmem:$0x1190] =	vst v3  }
0xa4: {  	[tilespmem:s29], [sflag:$0x1] =	stream.indirect.gather [hbm4b:s4+s1], $0x80, s8, s1, $0xb8;
	[tilespmem:$0x1CB00] =	vst v63  }
0xa5: {  	s3 =	sshll.u32 s3, $0x4  }
0xa6: {  	[tilespmem:s10], [sflag:$0x1] =	stream.indirect.gather [hbm4b:s4+s1], $0x80, s9, s1, $0xb8;
	[tilespmem:$0x1CB00] =	vst v63  }
0xa7: {  	s0 =	simm.s32 $0x0;
	s7 =	sadd.s32 s5, s3  }
0xa8: {  	[tilespmem:s11], [sflag:$0x1] =	stream.linear.gather [hbm4b:s7+s0], $0x1800, $0x38;
	[tilespmem:$0x1CB00] =	vst v63  }
0xa9: {  	_ = 	snop  }
0xaa: {  	[tilespmem:s31], [sflag:$0x1] =	stream.indirect.gather [hbm4b:s4+s12], $0x80, s13, s12, $0xb8;
	[tilespmem:$0x1CB00] =	vst v63  }
0xab: {  	_ = 	snop  }
0xac: {  	[tilespmem:s15], [sflag:$0x1] =	stream.indirect.gather [hbm4b:s4+s12], $0x80, s14, s12, $0xb8;
	[tilespmem:$0x1CB00] =	vst v63  }
0xad: {  	s3 =	sadd.s32 s3, s22  }
0xae: {  	[tilespmem:s16], [sflag:$0x1] =	stream.linear.gather [hbm4b:s3+s0], $0x1000, $0x38;
	[tilespmem:$0x1CB00] =	vst v63  }
0xaf: {  	_ =	swait.ge [sflag:s17], $0x1800  }
0xb0: {  	[sflag:s17] =	ssyncset.done $0x0  }
0xb1: {  	[sflag:s17] =	ssyncadd.s32 $0xFFFFE800  }
0xb2: {  	_ =	swait.ge [sflag:s17], $0x1800  }
0xb3: {  	[sflag:s17] =	ssyncset.done $0x0  }
0xb4: {  	[sflag:s17] =	ssyncadd.s32 $0xFFFFE800  }
0xb5: {  	_ =	swait.ge [sflag:s17], $0x1800  }
0xb6: {  	[sflag:s17] =	ssyncset.done $0x0  }
0xb7: {  	s7 =	simm.s32 $0x0;
	[sflag:s17] =	ssyncadd.s32 $0xFFFFE800  }
0xb8: {  	v7 =	vld [tilespmem:s7+$0x6300]  }
0xb9: {  	v8 =	vld [tilespmem:s7+$0x6310]  }
0xba: {  	v6 =	vld [tilespmem:s7+$0x6320]  }
0xbb: {  	v5 =	vld [tilespmem:s7+$0x6330]  }
0xbc: {  	v4 =	vld [tilespmem:s7+$0x6340]  }
0xbd: {  	v3 =	vld [tilespmem:s7+$0x6350]  }
0xbe: {  	v15 =	vld [tilespmem:s7+$0x3B00]  }
0xbf: {  	v20 =	vld [tilespmem:s7+$0x3B10]  }
0xc0: {  	v14 =	vld [tilespmem:s7+$0x3B20]  }
0xc1: {  	v13 =	vld [tilespmem:s7+$0x3B30]  }
0xc2: {  	v12 =	vld [tilespmem:s7+$0x3B40]  }
0xc3: {  	v11 =	vld [tilespmem:s7+$0x3B50]  }
0xc4: {  	v10 =	vld [tilespmem:s7+$0x3B60]  }
0xc5: {  	v9 =	vld [tilespmem:s7+$0x3B70]  }
0xc6: {  	v21 =	vld [tilespmem:s7+$0x1300]  }
0xc7: {  	v22 =	vld [tilespmem:s7+$0x1310]  }
0xc8: {  	v19 =	vld [tilespmem:s7+$0x1320]  }
0xc9: {  	v18 =	vld [tilespmem:s7+$0x1330]  }
0xca: {  	v17 =	vld [tilespmem:s7+$0x1340]  }
0xcb: {  	v16 =	vld [tilespmem:s7+$0x1350];
	v21 =	vadd.f32 v15, v21  }
0xcc: {  	s3 =	simm.s32 $0x200;
	v20 =	vadd.f32 v20, v22;
	v15 =	vld [tilespmem:s7+$0x1360]  }
.LBB2_8:
0xcd: {  	p0 =	sne.s32 s3, $0x5E00;
	v7 =	vadd.f32 v7, v21;
	v14 =	vadd.f32 v14, v19;
	v19 =	vld [tilespmem:s7+$0x1370]  }
0xce: {  	v8 =	vadd.f32 v8, v20;
	v13 =	vadd.f32 v13, v18;
	v18 =	vld [tilespmem:s7+$0x6360]  }
0xcf: {  	s0 =	sshra.s32 s3, $0x2;
	v20 =	vmax.f32 v7, $0.0e+00;
	v6 =	vadd.f32 v6, v14;
	v12 =	vadd.f32 v12, v17;
	v14 =	vld [tilespmem:s7+$0x6370]  }
0xd0: {  	v7 =	vld [tilespmem:s0+$0x6300];
	[tilespmem:s7+$0x1300] =	vst v20;
	v17 =	vmax.f32 v8, $0.0e+00;
	v5 =	vadd.f32 v5, v13;
	v11 =	vadd.f32 v11, v16  }
0xd1: {  	v8 =	vld [tilespmem:s0+$0x6310];
	[tilespmem:s7+$0x1310] =	vst v17;
	v13 =	vmax.f32 v6, $0.0e+00;
	v4 =	vadd.f32 v4, v12;
	v10 =	vadd.f32 v10, v15  }
0xd2: {  	v6 =	vld [tilespmem:s0+$0x6320];
	[tilespmem:s7+$0x1320] =	vst v13;
	v12 =	vmax.f32 v5, $0.0e+00;
	v3 =	vadd.f32 v3, v11;
	v9 =	vadd.f32 v9, v19  }
0xd3: {  	v5 =	vld [tilespmem:s0+$0x6330];
	[tilespmem:s7+$0x1330] =	vst v12;
	v11 =	vmax.f32 v4, $0.0e+00;
	v10 =	vadd.f32 v18, v10  }
0xd4: {  	v4 =	vld [tilespmem:s0+$0x6340];
	[tilespmem:s7+$0x1340] =	vst v11;
	v11 =	vmax.f32 v3, $0.0e+00;
	v9 =	vadd.f32 v14, v9  }
0xd5: {  	v3 =	vld [tilespmem:s0+$0x6350];
	[tilespmem:s7+$0x1350] =	vst v11;
	v10 =	vmax.f32 v10, $0.0e+00  }
0xd6: {  	v15 =	vld [tilespmem:s0+$0x3B00];
	[tilespmem:s7+$0x1360] =	vst v10;
	v9 =	vmax.f32 v9, $0.0e+00  }
0xd7: {  	v20 =	vld [tilespmem:s0+$0x3B10];
	[tilespmem:s7+$0x1370] =	vst v9;
	s7 =	smov.u32 s0  }
0xd8: {  	v14 =	vld [tilespmem:s7+$0x3B20]  }
0xd9: {  	v13 =	vld [tilespmem:s7+$0x3B30]  }
0xda: {  	v12 =	vld [tilespmem:s7+$0x3B40]  }
0xdb: {  	v11 =	vld [tilespmem:s7+$0x3B50]  }
0xdc: {  	v10 =	vld [tilespmem:s7+$0x3B60]  }
0xdd: {  	v9 =	vld [tilespmem:s7+$0x3B70]  }
0xde: {  	v16 =	vld [tilespmem:s7+$0x1300]  }
0xdf: {  	v22 =	vld [tilespmem:s7+$0x1310]  }
.Ltmp2:
0xe0: {  	v19 =	vld [tilespmem:s7+$0x1320];
	(pc) =	sbr.rel @p0 .LBB2_8-.Ltmp2, $4  }
0xe1: {  	v18 =	vld [tilespmem:s7+$0x1330]  }
0xe2: {  	v17 =	vld [tilespmem:s7+$0x1340]  }
0xe3: {  	v21 =	vadd.f32 v15, v16;
	v16 =	vld [tilespmem:s7+$0x1350]  }
0xe4: {  	s3 =	sadd.s32 $0x200, s3;
	v20 =	vadd.f32 v20, v22;
	v15 =	vld [tilespmem:s7+$0x1360]  }
0xe5: {  	v7 =	vadd.f32 v7, v21;
	v14 =	vadd.f32 v14, v19;
	v19 =	vld [tilespmem:s7+$0x1370]  }
0xe6: {  	v8 =	vadd.f32 v8, v20;
	v13 =	vadd.f32 v13, v18;
	v18 =	vld [tilespmem:s7+$0x6360]  }
0xe7: {  	v7 =	vmax.f32 v7, $0.0e+00;
	v6 =	vadd.f32 v6, v14;
	v12 =	vadd.f32 v12, v17;
	v14 =	vld [tilespmem:s7+$0x6370]  }
0xe8: {  	[tilespmem:s7+$0x1300] =	vst v7;
	v7 =	vmax.f32 v8, $0.0e+00;
	v5 =	vadd.f32 v5, v13;
	v8 =	vadd.f32 v11, v16  }
0xe9: {  	[tilespmem:s7+$0x1310] =	vst v7;
	v6 =	vmax.f32 v6, $0.0e+00;
	v4 =	vadd.f32 v4, v12;
	v7 =	vadd.f32 v10, v15  }
0xea: {  	[tilespmem:s7+$0x1320] =	vst v6;
	v5 =	vmax.f32 v5, $0.0e+00;
	v3 =	vadd.f32 v3, v8;
	v6 =	vadd.f32 v9, v19  }
0xeb: {  	[tilespmem:s7+$0x1330] =	vst v5;
	v4 =	vmax.f32 v4, $0.0e+00;
	v5 =	vadd.f32 v18, v7  }
0xec: {  	[tilespmem:s7+$0x1340] =	vst v4;
	v3 =	vmax.f32 v3, $0.0e+00;
	v4 =	vadd.f32 v14, v6  }
0xed: {  	[tilespmem:s7+$0x1350] =	vst v3;
	v3 =	vmax.f32 v5, $0.0e+00  }
0xee: {  	[tilespmem:s7+$0x1360] =	vst v3;
	v3 =	vmax.f32 v4, $0.0e+00  }
0xef: {  	[tilespmem:s7+$0x1370] =	vst v3  }
0xf0: {  	_ =	swait.ge [sflag:s17], $0x1000  }
0xf1: {  	[sflag:s17] =	ssyncset.done $0x0  }
0xf2: {  	[sflag:s17] =	ssyncadd.s32 $0xFFFFF000  }
0xf3: {  	_ =	swait.ge [sflag:s17], $0x1000  }
0xf4: {  	[sflag:s17] =	ssyncset.done $0x0  }
0xf5: {  	[sflag:s17] =	ssyncadd.s32 $0xFFFFF000  }
0xf6: {  	_ =	swait.ge [sflag:s17], $0x1000  }
0xf7: {  	[sflag:s17] =	ssyncset.done $0x0  }
0xf8: {  	s7 =	simm.s32 $0x0;
	[sflag:s17] =	ssyncadd.s32 $0xFFFFF000  }
0xf9: {  	[spmem:s2] =	stream.indirect.scatter.add.f32 [tilespmem:s29], [sflag:$0x2], $0x80, s18, s1, $0xb8;
	[tilespmem:$0x1CB00] =	vst v63  }
0xfa: {  	v7 =	vld [tilespmem:s7+$0x7B00]  }
0xfb: {  	v8 =	vld [tilespmem:s7+$0x7B10]  }
0xfc: {  	v6 =	vld [tilespmem:s7+$0x7B20]  }
0xfd: {  	v5 =	vld [tilespmem:s7+$0x7B30]  }
0xfe: {  	v4 =	vld [tilespmem:s7+$0x7B40]  }
0xff: {  	v3 =	vld [tilespmem:s7+$0x7B50]  }
0x100: {  	v15 =	vld [tilespmem:s7+$0x5300]  }
0x101: {  	v20 =	vld [tilespmem:s7+$0x5310]  }
0x102: {  	v14 =	vld [tilespmem:s7+$0x5320]  }
0x103: {  	v13 =	vld [tilespmem:s7+$0x5330]  }
0x104: {  	v12 =	vld [tilespmem:s7+$0x5340]  }
0x105: {  	v11 =	vld [tilespmem:s7+$0x5350]  }
0x106: {  	v10 =	vld [tilespmem:s7+$0x5360]  }
0x107: {  	v9 =	vld [tilespmem:s7+$0x5370]  }
0x108: {  	v21 =	vld [tilespmem:s7+$0x2B00]  }
0x109: {  	v22 =	vld [tilespmem:s7+$0x2B10]  }
0x10a: {  	v19 =	vld [tilespmem:s7+$0x2B20]  }
0x10b: {  	v18 =	vld [tilespmem:s7+$0x2B30]  }
0x10c: {  	v17 =	vld [tilespmem:s7+$0x2B40]  }
0x10d: {  	v16 =	vld [tilespmem:s7+$0x2B50];
	v21 =	vadd.f32 v15, v21  }
0x10e: {  	s3 =	simm.s32 $0x200;
	v20 =	vadd.f32 v20, v22;
	v15 =	vld [tilespmem:s7+$0x2B60]  }
.LBB2_10:
0x10f: {  	p0 =	sne.s32 s3, $0x3E00;
	v7 =	vadd.f32 v7, v21;
	v14 =	vadd.f32 v14, v19;
	v19 =	vld [tilespmem:s7+$0x2B70]  }
0x110: {  	v8 =	vadd.f32 v8, v20;
	v13 =	vadd.f32 v13, v18;
	v18 =	vld [tilespmem:s7+$0x7B60]  }
0x111: {  	s0 =	sshra.s32 s3, $0x2;
	v20 =	vmax.f32 v7, $0.0e+00;
	v6 =	vadd.f32 v6, v14;
	v12 =	vadd.f32 v12, v17;
	v14 =	vld [tilespmem:s7+$0x7B70]  }
0x112: {  	v7 =	vld [tilespmem:s0+$0x7B00];
	[tilespmem:s7+$0x2B00] =	vst v20;
	v17 =	vmax.f32 v8, $0.0e+00;
	v5 =	vadd.f32 v5, v13;
	v11 =	vadd.f32 v11, v16  }
0x113: {  	v8 =	vld [tilespmem:s0+$0x7B10];
	[tilespmem:s7+$0x2B10] =	vst v17;
	v13 =	vmax.f32 v6, $0.0e+00;
	v4 =	vadd.f32 v4, v12;
	v10 =	vadd.f32 v10, v15  }
0x114: {  	v6 =	vld [tilespmem:s0+$0x7B20];
	[tilespmem:s7+$0x2B20] =	vst v13;
	v12 =	vmax.f32 v5, $0.0e+00;
	v3 =	vadd.f32 v3, v11;
	v9 =	vadd.f32 v9, v19  }
0x115: {  	v5 =	vld [tilespmem:s0+$0x7B30];
	[tilespmem:s7+$0x2B30] =	vst v12;
	v11 =	vmax.f32 v4, $0.0e+00;
	v10 =	vadd.f32 v18, v10  }
0x116: {  	v4 =	vld [tilespmem:s0+$0x7B40];
	[tilespmem:s7+$0x2B40] =	vst v11;
	v11 =	vmax.f32 v3, $0.0e+00;
	v9 =	vadd.f32 v14, v9  }
0x117: {  	v3 =	vld [tilespmem:s0+$0x7B50];
	[tilespmem:s7+$0x2B50] =	vst v11;
	v10 =	vmax.f32 v10, $0.0e+00  }
0x118: {  	v15 =	vld [tilespmem:s0+$0x5300];
	[tilespmem:s7+$0x2B60] =	vst v10;
	v9 =	vmax.f32 v9, $0.0e+00  }
0x119: {  	v20 =	vld [tilespmem:s0+$0x5310];
	[tilespmem:s7+$0x2B70] =	vst v9;
	s7 =	smov.u32 s0  }
0x11a: {  	v14 =	vld [tilespmem:s7+$0x5320]  }
0x11b: {  	v13 =	vld [tilespmem:s7+$0x5330]  }
0x11c: {  	v12 =	vld [tilespmem:s7+$0x5340]  }
0x11d: {  	v11 =	vld [tilespmem:s7+$0x5350]  }
0x11e: {  	v10 =	vld [tilespmem:s7+$0x5360]  }
0x11f: {  	v9 =	vld [tilespmem:s7+$0x5370]  }
0x120: {  	v16 =	vld [tilespmem:s7+$0x2B00]  }
0x121: {  	v22 =	vld [tilespmem:s7+$0x2B10]  }
.Ltmp3:
0x122: {  	v19 =	vld [tilespmem:s7+$0x2B20];
	(pc) =	sbr.rel @p0 .LBB2_10-.Ltmp3, $4  }
0x123: {  	v18 =	vld [tilespmem:s7+$0x2B30]  }
0x124: {  	v17 =	vld [tilespmem:s7+$0x2B40]  }
0x125: {  	v21 =	vadd.f32 v15, v16;
	v16 =	vld [tilespmem:s7+$0x2B50]  }
0x126: {  	s3 =	sadd.s32 $0x200, s3;
	v20 =	vadd.f32 v20, v22;
	v15 =	vld [tilespmem:s7+$0x2B60]  }
0x127: {  	v7 =	vadd.f32 v7, v21;
	v14 =	vadd.f32 v14, v19;
	v55 =	vld [tilespmem:s7+$0x2B70]  }
0x128: {  	v56 =	vld [tilespmem:s7+$0x7B60];
	v8 =	vadd.f32 v8, v20;
	v13 =	vadd.f32 v13, v18  }
0x129: {  	v57 =	vld [tilespmem:s7+$0x7B70];
	v7 =	vmax.f32 v7, $0.0e+00;
	v6 =	vadd.f32 v6, v14;
	v12 =	vadd.f32 v12, v17  }
0x12a: {  	[tilespmem:s7+$0x2B00] =	vst v7;
	v58 =	vmax.f32 v8, $0.0e+00;
	v5 =	vadd.f32 v5, v13;
	v59 =	vadd.f32 v11, v16  }
0x12b: {  	[tilespmem:s7+$0x2B10] =	vst v58;
	v6 =	vmax.f32 v6, $0.0e+00;
	v4 =	vadd.f32 v4, v12;
	v60 =	vadd.f32 v10, v15  }
0x12c: {  	[tilespmem:s7+$0x2B20] =	vst v6;
	v5 =	vmax.f32 v5, $0.0e+00;
	v3 =	vadd.f32 v3, v59;
	v61 =	vadd.f32 v9, v55  }
0x12d: {  	[tilespmem:s7+$0x2B30] =	vst v5;
	v4 =	vmax.f32 v4, $0.0e+00;
	v62 =	vadd.f32 v56, v60  }
0x12e: {  	[tilespmem:s7+$0x2B40] =	vst v4;
	v3 =	vmax.f32 v3, $0.0e+00;
	v63 =	vadd.f32 v57, v61  }
0x12f: {  	[tilespmem:s7+$0x2B50] =	vst v3;
	v3 =	vmax.f32 v62, $0.0e+00  }
0x130: {  	[tilespmem:s7+$0x2B60] =	vst v3;
	v3 =	vmax.f32 v63, $0.0e+00  }
0x131: {  	[tilespmem:s7+$0x2B70] =	vst v3  }
0x132: {  	s26 =	sadd.s32 $0x1, s26;
	_ =	swait.ge [sflag:s19], $0x1800  }
0x133: {  	p0 =	sne.s32 s26, $0x19;
	[sflag:s19] =	ssyncset.done $0x0  }
.Ltmp4:
0x134: {  	[sflag:s19] =	ssyncadd.s32 $0xFFFFE800;
	(pc) =	sbr.rel @p0 .LBB2_7-.Ltmp4, $4  }
0x135: {  	[spmem:s2] =	stream.indirect.scatter.add.f32 [tilespmem:s31], [sflag:$0x3], $0x80, s20, s12, $0xb8;
	[tilespmem:$0x1CB00] =	vst v63  }
0x136: {  	_ =	swait.ge [sflag:s30], $0x1000  }
0x137: {  	[sflag:s30] =	ssyncset.done $0x0  }
0x138: {  	[sflag:s30] =	ssyncadd.s32 $0xFFFFF000  }
0x139: {  	s24 =	sadd.s32 $0x1, s24  }
0x13a: {  	p0 =	sne.s32 s24, $0x5  }
.Ltmp5:
0x13b: {  	_ = 	snop;
	(pc) =	sbr.rel @p0 .LBB2_6-.Ltmp5, $1  }
0x13c: {  	_ =	sdelay $0x3  }
0x13d: {  	s0 =	stileid.u32;
	[bflag:$0x0] =	sbarrier.arrive $0xFFFF  }
0x13e: {  	s0 =	sshll.u32 s0, $0x6;
	s24 =	rddreg [dreg:$0x4]  }
0x13f: {  	s7 =	rddreg [dreg:$0x12];
	s0 =	sor.u32 $0x1C03, s0;
	s3 =	sshrl.u32 s24, $0x3  }
0x140: {  	[hbm:s7], [sflag:s0] =	dma.local [spmem:s3], $0x2800  }
0x141: {  	_ =	swait.ge [sflag:s30], $0x2800  }
0x142: {  	s23 =	rddreg [dreg:$0x3]  }
0x143: {  	s26 =	rddreg [dreg:$0x13];
	s23 =	sadd.s32 $0x1, s23  }
0x144: {  	p0 =	sne.s32 s23, s26  }
.Ltmp6:
0x145: {  	_ = 	snop;
	(pc) =	sbr.rel @p0 .LBB2_1-.Ltmp6, $3  }
0x146: {  	_ =	sdelay $0x1  }
0x147: {  	[sflag:s30] =	ssyncset.done $0x0  }
0x148: {  	[sflag:s30] =	ssyncadd.s32 $0xFFFFD800  }
0x149: {  	_ =	sfence.sel $0x180000  }
0x14a: {  	[bflag:$0x0] =	sbarrier.arrive $0xFFFF  }
0x14b: {  	_ =	strace $0x90000047  }
0x14c: {  	s0 =	stileid.u32;
	[bflag:$0x2] =	sbarrier.arrive $0xFFFF  }
0x14d: {  	p0 =	sne.s32 s0, $0x0;
	s0 =	rddreg [dreg:$0x2]  }
0x14e: {  	s0 =	sadd.s32 @!p0 $0x100000, s0  }
0x14f: {  	[sflag:s0] =	ssyncadd.tile.s32 @!p0 $0x1;
	_ =	shalt  }
.Lfunc_end2:
_tile_overlayer_lowered:
.L_overlay_start_2:
0x150: {  	(tag) =	ssettag $0x2  }
0x151: {  	s0 =	rddreg [dreg:$0x0];
	s2 =	stileid.u32  }
0x152: {  	s1 =	rddreg [dreg:$0x1];
	p0 =	sne.s32 s2, $0x0  }
0x153: {  	s3 =	rddreg [dreg:$0x2];
	[bflag:$0x3] =	sbarrier.arrive $0xFFFF;
	s2 =	simm.s32 @!p0 $0x1C03  }
0x154: {  	[timem:s3], [sflag:s2] =	dma.local @!p0 [hbm:s0], s1  }
0x155: {  	s0 =	simm.s32 @!p0 $0x3  }
0x156: {  	_ =	swait.ge @!p0 [sflag:s0], s1  }
0x157: {  	s1 =	ssub.s32 @!p0 $0x0, s1;
	[sflag:s0] =	ssyncset.done @!p0 $0x0  }
0x158: {  	[sflag:s0] =	ssyncadd.s32 @!p0 s1  }
0x159: {  	[bflag:$0x3] =	sbarrier.arrive $0xFFFF  }
0x15a: {  	_ =	shalt  }

</sc_bundles>
